<compile_context>
chip_gen: v7x
topology: tpu7x:2x2x1
jax: 0.10.2.dev20260603
libtpu: 0.0.44.dev20260713+nightly
codegen_flags: <defaults>
</compile_context>

<pallas_src>
import functools

import jax
import jax.numpy as jnp
from jax import lax
from jax.experimental import pallas as pl
from jax.experimental.pallas import tpu as pltpu
from jax.experimental.pallas import tpu_sc as plsc

HIDDEN_DIM = 64
MEMORY_SLOTS = 8
VOCAB_SIZE = 64
N_HEADS = 2
HEAD_DIM = HIDDEN_DIM // N_HEADS
B = 128
L = 512
BB = 32
V = VOCAB_SIZE

_TRANS_RHS = (((1,), (1,)), ((), ()))


def _dot(a, b):
    return jax.lax.dot_general(a, b, (((1,), (0,)), ((), ())),
                               preferred_element_type=jnp.float32)


def _dot_tb(a, b):
    return jax.lax.dot_general(a, b, _TRANS_RHS,
                               preferred_element_type=jnp.float32)


def _layer_norm(x, g, b):
    m = jnp.mean(x, axis=-1, keepdims=True)
    v = jnp.mean((x - m) ** 2, axis=-1, keepdims=True)
    return (x - m) * jax.lax.rsqrt(v + 1e-5) * g + b


def _sc_histogram(seq_flat):
    info = plsc.get_sparse_core_info()
    NC, NS = info.num_cores, info.num_subcores
    NW = NC * NS
    per_w = (B * L) // NW
    spw = B // NW
    vps = L // 16
    mesh = plsc.VectorSubcoreMesh(core_axis_name="c", subcore_axis_name="s")

    @functools.partial(
        pl.kernel, mesh=mesh,
        out_type=jax.ShapeDtypeStruct((B * V,), jnp.float32),
        scratch_types=[pltpu.VMEM((per_w,), jnp.int32),
                       pltpu.VMEM((spw * V,), jnp.float32)],
        compiler_params=pltpu.CompilerParams(needs_layout_passes=False),
    )
    def hist(seq_hbm, out_hbm, seq_v, cnt_v):
        wid = lax.axis_index("s") * NC + lax.axis_index("c")
        pltpu.sync_copy(seq_hbm.at[pl.ds(wid * per_w, per_w)], seq_v)
        zeros = jnp.zeros((16,), jnp.float32)
        for j in range(spw * V // 16):
            cnt_v[pl.ds(j * 16, 16)] = zeros
        ones = jnp.ones((16,), jnp.float32)
        for s in range(spw):
            for j in range(vps):
                vec = seq_v[pl.ds((s * vps + j) * 16, 16)]
                plsc.addupdate_scatter(cnt_v, [vec + s * V], ones)
        pltpu.sync_copy(cnt_v, out_hbm.at[pl.ds(wid * spw * V, spw * V)])

    return hist(seq_flat)


def _expand(mat):
    return jnp.reshape(
        jnp.broadcast_to(jnp.reshape(mat, (BB, 1, V)), (BB, V, V)),
        (BB * V, V))


def _step(c_ref, query_ref, target_ref, seg2_ref, eye_t_ref,
          embed_ref,
          wq0_ref, wq1_ref, wk0_ref, wk1_ref, wv0_ref, wv1_ref,
          bq0_ref, bq1_ref, bk0_ref, bk1_ref, bv0_ref, bv1_ref,
          wo0_ref, wo1_ref, bo_ref, w1_ref, b1_ref, w2_ref, b2_ref,
          n1g_ref, n1b_ref, n2g_ref, n2b_ref, gate_ref,
          qemb_ref, wqp_ref, bqp_ref, wop_ref, bop_ref, out_ref):
    i = pl.program_id(0)

    @pl.when(i == 0)
    def _():
        out_ref[...] = jnp.zeros_like(out_ref)

    BV = BB * V
    f32 = jnp.float32
    iota_bv = jax.lax.broadcasted_iota(jnp.int32, (BB, V), 1)
    ones_col = jnp.ones((V, 1), f32)
    eye_t = eye_t_ref[...]
    seg2 = seg2_ref[...]

    def rowsum(x):
        return _dot(x, ones_col)

    c_mat = c_ref[...]
    c_expand = _expand(c_mat)
    c_col = rowsum(c_expand * eye_t)

    emb = embed_ref[...]
    scale = 1.0 / (HEAD_DIM ** 0.5)

    def head_tab(wq, wk, bq, bk):
        q = _dot(emb, wq[...]) + bq[...]
        k = _dot(emb, wk[...]) + bk[...]
        return jnp.exp(_dot_tb(q * scale, k))

    expS0 = head_tab(wq0_ref, wk0_ref, bq0_ref, bk0_ref)
    expS1 = head_tab(wq1_ref, wk1_ref, bq1_ref, bk1_ref)
    v0 = _dot(emb, wv0_ref[...]) + bv0_ref[...]
    v1 = _dot(emb, wv1_ref[...]) + bv1_ref[...]

    def att(expS, vh):
        p = jnp.concatenate([expS] * BB, axis=0) * c_expand
        return _dot(p, vh) * (1.0 / rowsum(p))

    a_out = (_dot(att(expS0, v0), wo0_ref[...])
             + _dot(att(expS1, v1), wo1_ref[...]) + bo_ref[...])

    h0 = jnp.concatenate([emb] * BB, axis=0)
    h1 = _layer_norm(h0 + a_out, n1g_ref[...], n1b_ref[...])
    ff = _dot(jnp.maximum(_dot(h1, w1_ref[...]) + b1_ref[...], 0.0),
              w2_ref[...]) + b2_ref[...]
    h2 = _layer_norm(h1 + ff, n2g_ref[...], n2b_ref[...])

    s_col = rowsum(h2 * gate_ref[...])
    s_mat = _dot(seg2, s_col * eye_t)
    neg = jnp.float32(-3e38)
    sm_col = jnp.where(c_col > 0.0, s_col, neg)
    sm_exp = _expand(jnp.where(c_mat > 0.0, s_mat, neg))
    gt = (sm_exp > sm_col).astype(f32)
    before = rowsum(gt * c_expand)
    m_col = jnp.clip(jnp.float32(MEMORY_SLOTS) - before, 0.0, c_col)
    m_col = jnp.where(c_col > 0.0, m_col, 0.0)

    q_oh = (iota_bv == query_ref[...]).astype(f32)
    q_h = _dot(q_oh, qemb_ref[...])
    qp = _dot(q_h, wqp_ref[...]) + bqp_ref[...]
    s2_col = rowsum(h2 * _expand(qp)) * (1.0 / (HIDDEN_DIM ** 0.5))
    e2 = jnp.exp(s2_col) * m_col
    denom = _dot(seg2, e2)
    read = _dot(seg2, e2 * h2) * (1.0 / denom)

    logits = _dot(read, wop_ref[...]) + bop_ref[...]
    ml = jnp.max(logits, axis=1, keepdims=True)
    lse = ml + jnp.log(jnp.sum(jnp.exp(logits - ml), axis=1, keepdims=True))
    t_oh = (iota_bv == target_ref[...]).astype(f32)
    tgt = jnp.sum(logits * t_oh, axis=1, keepdims=True)
    out_ref[...] += jnp.sum(lse - tgt) * (1.0 / B)


@functools.partial(jax.jit, static_argnames=("interpret",))
def _run(seq, query, target, embed, in_proj_w, in_proj_b, attn_out_w,
         attn_out_b, ff_w1, ff_b1, ff_w2, ff_b2, norm1_g, norm1_b, norm2_g,
         norm2_b, gate_w, gate_b, q_embed, qp_w, qp_b, op_w, op_b,
         interpret=False):
    f32 = jnp.float32
    c_all = _sc_histogram(seq.astype(jnp.int32).reshape(B * L)).reshape(B, V)
    query_col = query.astype(jnp.int32).reshape(B, 1)
    target_col = target.astype(jnp.int32).reshape(B, 1)
    BV = BB * V
    seg2 = (jnp.arange(BV, dtype=jnp.int32)[None, :] // V
            == jnp.arange(BB, dtype=jnp.int32)[:, None]).astype(f32)
    eye_t = jnp.tile(jnp.eye(V, dtype=f32), (BB, 1))
    HD = HEAD_DIM
    wq0 = in_proj_w[0:HD].T
    wq1 = in_proj_w[HD:2 * HD].T
    wk0 = in_proj_w[2 * HD:3 * HD].T
    wk1 = in_proj_w[3 * HD:4 * HD].T
    wv0 = in_proj_w[4 * HD:5 * HD].T
    wv1 = in_proj_w[5 * HD:6 * HD].T
    bq0 = in_proj_b[0:HD].reshape(1, HD)
    bq1 = in_proj_b[HD:2 * HD].reshape(1, HD)
    bk0 = in_proj_b[2 * HD:3 * HD].reshape(1, HD)
    bk1 = in_proj_b[3 * HD:4 * HD].reshape(1, HD)
    bv0 = in_proj_b[4 * HD:5 * HD].reshape(1, HD)
    bv1 = in_proj_b[5 * HD:6 * HD].reshape(1, HD)
    wo0 = attn_out_w.T[0:HD]
    wo1 = attn_out_w.T[HD:2 * HD]
    bo = attn_out_b.reshape(1, HIDDEN_DIM)
    w1 = ff_w1.T
    b1 = ff_b1.reshape(1, -1)
    w2 = ff_w2.T
    b2 = ff_b2.reshape(1, -1)
    n1g = norm1_g.reshape(1, -1)
    n1b = norm1_b.reshape(1, -1)
    n2g = norm2_g.reshape(1, -1)
    n2b = norm2_b.reshape(1, -1)
    gate = gate_w.reshape(1, -1)
    wqp = qp_w.T
    bqp = qp_b.reshape(1, -1)
    wop = op_w.T
    bop = op_b.reshape(1, -1)

    full = lambda a: pl.BlockSpec(a.shape, lambda i: (0,) * a.ndim)
    vm_args = (embed, wq0, wq1, wk0, wk1, wv0, wv1, bq0, bq1, bk0, bk1,
               bv0, bv1, wo0, wo1, bo, w1, b1, w2, b2, n1g, n1b, n2g, n2b,
               gate, q_embed, wqp, bqp, wop, bop)
    out = pl.pallas_call(
        _step,
        grid=(B // BB,),
        in_specs=[pl.BlockSpec((BB, V), lambda i: (i, 0)),
                  pl.BlockSpec((BB, 1), lambda i: (i, 0)),
                  pl.BlockSpec((BB, 1), lambda i: (i, 0)),
                  full(seg2), full(eye_t)]
                 + [full(a) for a in vm_args],
        out_specs=pl.BlockSpec((1, 1), lambda i: (0, 0)),
        out_shape=jax.ShapeDtypeStruct((1, 1), f32),
        interpret=interpret,
    )(c_all, query_col, target_col, seg2, eye_t, *vm_args)
    return out[0, 0]


def kernel(seq, query, target, embed, in_proj_w, in_proj_b, attn_out_w,
           attn_out_b, ff_w1, ff_b1, ff_w2, ff_b2, norm1_g, norm1_b, norm2_g,
           norm2_b, gate_w, gate_b, q_embed, qp_w, qp_b, op_w, op_b):
    return _run(seq, query, target, embed, in_proj_w, in_proj_b, attn_out_w,
                attn_out_b, ff_w1, ff_b1, ff_w2, ff_b2, norm1_g, norm1_b,
                norm2_g, norm2_b, gate_w, gate_b, q_embed, qp_w, qp_b,
                op_w, op_b)

# --- scband reference (transcript-rebuilt; emitter-appended) ---
"""Pipeline reference for scband-standard-controller-77068893160245 (READ-ONLY COPY).

The authoritative reference and input builder live on the scoring server;
editing this copy changes nothing except your own understanding.
"""

import jax, jax.numpy as jnp
import numpy as np

HIDDEN_DIM = 64
MEMORY_SLOTS = 8
VOCAB_SIZE = 64
N_HEADS = 2
HEAD_DIM = HIDDEN_DIM // N_HEADS
B = 128
L = 512


def setup_inputs(seed: int = 0):
    key = jax.random.key(seed)
    ks = jax.random.split(key, 32)

    def p(i, shape):
        return jax.random.normal(ks[i], shape, dtype=jnp.float32) * 0.02

    inp = {
        'seq': jax.random.randint(ks[0], (B, L), 0, VOCAB_SIZE),
        'query': jax.random.randint(ks[1], (B,), 0, VOCAB_SIZE),
        'target': jax.random.randint(ks[2], (B,), 0, VOCAB_SIZE),
        'embed': p(3, (VOCAB_SIZE, HIDDEN_DIM)),
        'in_proj_w': p(4, (3 * HIDDEN_DIM, HIDDEN_DIM)),
        'in_proj_b': p(5, (3 * HIDDEN_DIM,)),
        'attn_out_w': p(6, (HIDDEN_DIM, HIDDEN_DIM)),
        'attn_out_b': p(7, (HIDDEN_DIM,)),
        'ff_w1': p(8, (2 * HIDDEN_DIM, HIDDEN_DIM)),
        'ff_b1': p(9, (2 * HIDDEN_DIM,)),
        'ff_w2': p(10, (HIDDEN_DIM, 2 * HIDDEN_DIM)),
        'ff_b2': p(11, (HIDDEN_DIM,)),
        'norm1_g': jnp.ones((HIDDEN_DIM,), dtype=jnp.float32),
        'norm1_b': jnp.zeros((HIDDEN_DIM,), dtype=jnp.float32),
        'norm2_g': jnp.ones((HIDDEN_DIM,), dtype=jnp.float32),
        'norm2_b': jnp.zeros((HIDDEN_DIM,), dtype=jnp.float32),
        'gate_w': p(12, (1, HIDDEN_DIM)),
        'gate_b': p(13, (1,)),
        'q_embed': p(14, (VOCAB_SIZE, HIDDEN_DIM)),
        'qp_w': p(15, (HIDDEN_DIM, HIDDEN_DIM)),
        'qp_b': p(16, (HIDDEN_DIM,)),
        'op_w': p(17, (VOCAB_SIZE, HIDDEN_DIM)),
        'op_b': p(18, (VOCAB_SIZE,)),
    }
    return inp


def _layer_norm(x, g, b):
    m = jnp.mean(x, axis=-1, keepdims=True)
    v = jnp.mean((x - m) ** 2, axis=-1, keepdims=True)
    return (x - m) / jnp.sqrt(v + 1e-5) * g + b


def reference(seq, query, target, embed, in_proj_w, in_proj_b, attn_out_w, attn_out_b,
              ff_w1, ff_b1, ff_w2, ff_b2, norm1_g, norm1_b, norm2_g, norm2_b,
              gate_w, gate_b, q_embed, qp_w, qp_b, op_w, op_b):
    # TinyEncoder
    h = jnp.take(embed, seq, axis=0)  # [B, L, H]
    qkv = h @ in_proj_w.T + in_proj_b  # [B, L, 3H]
    q, k, v = jnp.split(qkv, 3, axis=-1)
    def heads(t):
        return t.reshape(B, L, N_HEADS, HEAD_DIM).transpose(0, 2, 1, 3)
    qh, kh, vh = heads(q), heads(k), heads(v)
    att = jax.nn.softmax(jnp.einsum('bhqd,bhkd->bhqk', qh, kh) / jnp.sqrt(float(HEAD_DIM)), axis=-1)
    a = jnp.einsum('bhqk,bhkd->bhqd', att, vh).transpose(0, 2, 1, 3).reshape(B, L, HIDDEN_DIM)
    a = a @ attn_out_w.T + attn_out_b
    h = _layer_norm(h + a, norm1_g, norm1_b)
    ff = jax.nn.relu(h @ ff_w1.T + ff_b1) @ ff_w2.T + ff_b2
    h = _layer_norm(h + ff, norm2_g, norm2_b)
    # WriteGate scores
    scores = jax.nn.sigmoid((h @ gate_w.T + gate_b).squeeze(-1))  # [B, L]
    # top-k selection over sequence dim
    _, idx = jax.lax.top_k(scores, MEMORY_SLOTS)  # [B, K]
    idx_e = jnp.broadcast_to(idx[:, :, None], (B, MEMORY_SLOTS, HIDDEN_DIM))
    mem = jnp.take_along_axis(h, idx_e, axis=1)  # [B, K, H]
    # MemoryReader
    q_h = jnp.take(q_embed, query, axis=0)  # [B, H]
    qp = q_h @ qp_w.T + qp_b  # [B, H]
    s = jnp.sum(qp[:, None, :] * mem, axis=-1) / (HIDDEN_DIM ** 0.5)  # [B, K]
    w = jax.nn.softmax(s, axis=-1)[:, :, None]
    read = jnp.sum(w * mem, axis=1)  # [B, H]
    logits = read @ op_w.T + op_b  # [B, V]
    # cross entropy (mean)
    lse = jax.nn.logsumexp(logits, axis=-1)
    nll = lse - jnp.take_along_axis(logits, target[:, None], axis=-1).squeeze(-1)
    return jnp.mean(nll)

if __name__ == "__main__":
    import jax
    _d = setup_inputs()
    print(jax.jit(kernel)(*tuple(_d.values())))

</pallas_src>

<mosaic_0001>
#map = affine_map<(d0, d1) -> (0)>
module attributes {stable_mosaic.version = 14 : i64} {
  func.func @hist(%arg0: i32, %arg1: i32, %arg2: memref<65536xi32, #tpu.memory_space<hbm>>, %arg3: memref<8192xf32, #tpu.memory_space<hbm>>, %arg4: memref<2048xi32, #tpu.memory_space<vmem>>, %arg5: memref<256xf32, #tpu.memory_space<vmem>>) attributes {dimension_semantics = [#tpu.dimension_semantics<core_parallel>, #tpu.dimension_semantics<subcore_parallel>], iteration_bounds = array<i64: 2, 16>, scalar_prefetch = 0 : i64, scratch_operands = 2 : i64, tpu.core_type = #tpu.core_type<sc_vector_subcore>, window_params = [{transform_indices = #map}, {transform_indices = #map}]} {
    %mul3A = arith.constant 2 : i32
    %mul3A_0 = arith.muli %arg1, %mul3A : i32
    %add3A = arith.addi %mul3A_0, %arg0 : i32
    %mul3A_1 = arith.constant 2048 : i32
    %mul3A_2 = arith.muli %add3A, %mul3A_1 : i32
    "tpu.region"() ({
      %run_scoped3A = tpu.sem_alloc : memref<!tpu.dma_semaphore, #tpu.memory_space<semaphore_mem>>
      %dma_start3A = tpu.memref_slice %arg2[%mul3A_2] : memref<65536xi32, #tpu.memory_space<hbm>> -> memref<2048xi32, #tpu.memory_space<hbm>>
      %dma_start3A_680 = tpu.memref_slice %arg2[%mul3A_2] : memref<65536xi32, #tpu.memory_space<hbm>> -> memref<2048xi32, #tpu.memory_space<hbm>>
      tpu.enqueue_dma source(%dma_start3A_680 : memref<2048xi32, #tpu.memory_space<hbm>>) target(%arg4 : memref<2048xi32, #tpu.memory_space<vmem>>) target_semaphore(%run_scoped3A : memref<!tpu.dma_semaphore, #tpu.memory_space<semaphore_mem>>)
      %dma_wait3A = tpu.memref_slice %arg2[%mul3A_2] : memref<65536xi32, #tpu.memory_space<hbm>> -> memref<2048xi32, #tpu.memory_space<hbm>>
      %dma_wait3A_681 = tpu.memref_slice %arg2[%mul3A_2] : memref<65536xi32, #tpu.memory_space<hbm>> -> memref<2048xi32, #tpu.memory_space<hbm>>
      tpu.wait_dma2 semaphore(%run_scoped3A : memref<!tpu.dma_semaphore, #tpu.memory_space<semaphore_mem>>) src(%dma_wait3A_681 : memref<2048xi32, #tpu.memory_space<hbm>>) dst(%arg4 : memref<2048xi32, #tpu.memory_space<vmem>>)
      tpu.yield
    }) : () -> ()
    %broadcast_in_dim3A = arith.constant 0.000000e+00 : f32
    %broadcast_in_dim3A_3 = vector.broadcast %broadcast_in_dim3A : f32 to vector<16xf32>
    %swap3A = arith.constant 0 : index
    %swap3A_4 = tpu.vector_load %arg5[%swap3A] {strides = array<i32>} : memref<256xf32, #tpu.memory_space<vmem>>, vector<16xf32>,
    tpu.vector_store %arg5[%swap3A], %broadcast_in_dim3A_3 {strides = array<i32>} : memref<256xf32, #tpu.memory_space<vmem>>, vector<16xf32>,
    %swap3A_5 = arith.constant 16 : index
    %swap3A_6 = tpu.vector_load %arg5[%swap3A_5] {strides = array<i32>} : memref<256xf32, #tpu.memory_space<vmem>>, vector<16xf32>,
    tpu.vector_store %arg5[%swap3A_5], %broadcast_in_dim3A_3 {strides = array<i32>} : memref<256xf32, #tpu.memory_space<vmem>>, vector<16xf32>,
    %swap3A_7 = arith.constant 32 : index
    %swap3A_8 = tpu.vector_load %arg5[%swap3A_7] {strides = array<i32>} : memref<256xf32, #tpu.memory_space<vmem>>, vector<16xf32>,
    tpu.vector_store %arg5[%swap3A_7], %broadcast_in_dim3A_3 {strides = array<i32>} : memref<256xf32, #tpu.memory_space<vmem>>, vector<16xf32>,
    %swap3A_9 = arith.constant 48 : index
    %swap3A_10 = tpu.vector_load %arg5[%swap3A_9] {strides = array<i32>} : memref<256xf32, #tpu.memory_space<vmem>>, vector<16xf32>,
    tpu.vector_store %arg5[%swap3A_9], %broadcast_in_dim3A_3 {strides = array<i32>} : memref<256xf32, #tpu.memory_space<vmem>>, vector<16xf32>,
    %swap3A_11 = arith.constant 64 : index
    %swap3A_12 = tpu.vector_load %arg5[%swap3A_11] {strides = array<i32>} : memref<256xf32, #tpu.memory_space<vmem>>, vector<16xf32>,
    tpu.vector_store %arg5[%swap3A_11], %broadcast_in_dim3A_3 {strides = array<i32>} : memref<256xf32, #tpu.memory_space<vmem>>, vector<16xf32>,
    %swap3A_13 = arith.constant 80 : index
    %swap3A_14 = tpu.vector_load %arg5[%swap3A_13] {strides = array<i32>} : memref<256xf32, #tpu.memory_space<vmem>>, vector<16xf32>,
    tpu.vector_store %arg5[%swap3A_13], %broadcast_in_dim3A_3 {strides = array<i32>} : memref<256xf32, #tpu.memory_space<vmem>>, vector<16xf32>,
    %swap3A_15 = arith.constant 96 : index
    %swap3A_16 = tpu.vector_load %arg5[%swap3A_15] {strides = array<i32>} : memref<256xf32, #tpu.memory_space<vmem>>, vector<16xf32>,
    tpu.vector_store %arg5[%swap3A_15], %broadcast_in_dim3A_3 {strides = array<i32>} : memref<256xf32, #tpu.memory_space<vmem>>, vector<16xf32>,
    %swap3A_17 = arith.constant 112 : index
    %swap3A_18 = tpu.vector_load %arg5[%swap3A_17] {strides = array<i32>} : memref<256xf32, #tpu.memory_space<vmem>>, vector<16xf32>,
    tpu.vector_store %arg5[%swap3A_17], %broadcast_in_dim3A_3 {strides = array<i32>} : memref<256xf32, #tpu.memory_space<vmem>>, vector<16xf32>,
    %swap3A_19 = arith.constant 128 : index
    %swap3A_20 = tpu.vector_load %arg5[%swap3A_19] {strides = array<i32>} : memref<256xf32, #tpu.memory_space<vmem>>, vector<16xf32>,
    tpu.vector_store %arg5[%swap3A_19], %broadcast_in_dim3A_3 {strides = array<i32>} : memref<256xf32, #tpu.memory_space<vmem>>, vector<16xf32>,
    %swap3A_21 = arith.constant 144 : index
    %swap3A_22 = tpu.vector_load %arg5[%swap3A_21] {strides = array<i32>} : memref<256xf32, #tpu.memory_space<vmem>>, vector<16xf32>,
    tpu.vector_store %arg5[%swap3A_21], %broadcast_in_dim3A_3 {strides = array<i32>} : memref<256xf32, #tpu.memory_space<vmem>>, vector<16xf32>,
    %swap3A_23 = arith.constant 160 : index
    %swap3A_24 = tpu.vector_load %arg5[%swap3A_23] {strides = array<i32>} : memref<256xf32, #tpu.memory_space<vmem>>, vector<16xf32>,
    tpu.vector_store %arg5[%swap3A_23], %broadcast_in_dim3A_3 {strides = array<i32>} : memref<256xf32, #tpu.memory_space<vmem>>, vector<16xf32>,
    %swap3A_25 = arith.constant 176 : index
    %swap3A_26 = tpu.vector_load %arg5[%swap3A_25] {strides = array<i32>} : memref<256xf32, #tpu.memory_space<vmem>>, vector<16xf32>,
    tpu.vector_store %arg5[%swap3A_25], %broadcast_in_dim3A_3 {strides = array<i32>} : memref<256xf32, #tpu.memory_space<vmem>>, vector<16xf32>,
    %swap3A_27 = arith.constant 192 : index
    %swap3A_28 = tpu.vector_load %arg5[%swap3A_27] {strides = array<i32>} : memref<256xf32, #tpu.memory_space<vmem>>, vector<16xf32>,
    tpu.vector_store %arg5[%swap3A_27], %broadcast_in_dim3A_3 {strides = array<i32>} : memref<256xf32, #tpu.memory_space<vmem>>, vector<16xf32>,
    %swap3A_29 = arith.constant 208 : index
    %swap3A_30 = tpu.vector_load %arg5[%swap3A_29] {strides = array<i32>} : memref<256xf32, #tpu.memory_space<vmem>>, vector<16xf32>,
    tpu.vector_store %arg5[%swap3A_29], %broadcast_in_dim3A_3 {strides = array<i32>} : memref<256xf32, #tpu.memory_space<vmem>>, vector<16xf32>,
    %swap3A_31 = arith.constant 224 : index
    %swap3A_32 = tpu.vector_load %arg5[%swap3A_31] {strides = array<i32>} : memref<256xf32, #tpu.memory_space<vmem>>, vector<16xf32>,
    tpu.vector_store %arg5[%swap3A_31], %broadcast_in_dim3A_3 {strides = array<i32>} : memref<256xf32, #tpu.memory_space<vmem>>, vector<16xf32>,
    %swap3A_33 = arith.constant 240 : index
    %swap3A_34 = tpu.vector_load %arg5[%swap3A_33] {strides = array<i32>} : memref<256xf32, #tpu.memory_space<vmem>>, vector<16xf32>,
    tpu.vector_store %arg5[%swap3A_33], %broadcast_in_dim3A_3 {strides = array<i32>} : memref<256xf32, #tpu.memory_space<vmem>>, vector<16xf32>,
    %broadcast_in_dim3A_35 = arith.constant 1.000000e+00 : f32
    %broadcast_in_dim3A_36 = vector.broadcast %broadcast_in_dim3A_35 : f32 to vector<16xf32>
    %get3A = arith.constant 0 : index
    %get3A_37 = tpu.vector_load %arg4[%get3A] {strides = array<i32>} : memref<2048xi32, #tpu.memory_space<vmem>>, vector<16xi32>,
    %add3A_38 = arith.constant 0 : i32
    %add3A_39 = vector.broadcast %add3A_38 : i32 to vector<16xi32>
    %add3A_40 = arith.addi %get3A_37, %add3A_39 : vector<16xi32>
    tpu.vector_store_idx %arg5[%add3A_40], %broadcast_in_dim3A_36 {add = true} : memref<256xf32, #tpu.memory_space<vmem>>[vector<16xi32>], vector<16xf32>,
    %get3A_41 = arith.constant 16 : index
    %get3A_42 = tpu.vector_load %arg4[%get3A_41] {strides = array<i32>} : memref<2048xi32, #tpu.memory_space<vmem>>, vector<16xi32>,
    %add3A_43 = arith.constant 0 : i32
    %add3A_44 = vector.broadcast %add3A_43 : i32 to vector<16xi32>
    %add3A_45 = arith.addi %get3A_42, %add3A_44 : vector<16xi32>
    tpu.vector_store_idx %arg5[%add3A_45], %broadcast_in_dim3A_36 {add = true} : memref<256xf32, #tpu.memory_space<vmem>>[vector<16xi32>], vector<16xf32>,
    %get3A_46 = arith.constant 32 : index
    %get3A_47 = tpu.vector_load %arg4[%get3A_46] {strides = array<i32>} : memref<2048xi32, #tpu.memory_space<vmem>>, vector<16xi32>,
    %add3A_48 = arith.constant 0 : i32
    %add3A_49 = vector.broadcast %add3A_48 : i32 to vector<16xi32>
    %add3A_50 = arith.addi %get3A_47, %add3A_49 : vector<16xi32>
    tpu.vector_store_idx %arg5[%add3A_50], %broadcast_in_dim3A_36 {add = true} : memref<256xf32, #tpu.memory_space<vmem>>[vector<16xi32>], vector<16xf32>,
    %get3A_51 = arith.constant 48 : index
    %get3A_52 = tpu.vector_load %arg4[%get3A_51] {strides = array<i32>} : memref<2048xi32, #tpu.memory_space<vmem>>, vector<16xi32>,
    %add3A_53 = arith.constant 0 : i32
    %add3A_54 = vector.broadcast %add3A_53 : i32 to vector<16xi32>
    %add3A_55 = arith.addi %get3A_52, %add3A_54 : vector<16xi32>
    tpu.vector_store_idx %arg5[%add3A_55], %broadcast_in_dim3A_36 {add = true} : memref<256xf32, #tpu.memory_space<vmem>>[vector<16xi32>], vector<16xf32>,
    %get3A_56 = arith.constant 64 : index
    %get3A_57 = tpu.vector_load %arg4[%get3A_56] {strides = array<i32>} : memref<2048xi32, #tpu.memory_space<vmem>>, vector<16xi32>,
    %add3A_58 = arith.constant 0 : i32
    %add3A_59 = vector.broadcast %add3A_58 : i32 to vector<16xi32>
    %add3A_60 = arith.addi %get3A_57, %add3A_59 : vector<16xi32>
    tpu.vector_store_idx %arg5[%add3A_60], %broadcast_in_dim3A_36 {add = true} : memref<256xf32, #tpu.memory_space<vmem>>[vector<16xi32>], vector<16xf32>,
    %get3A_61 = arith.constant 80 : index
    %get3A_62 = tpu.vector_load %arg4[%get3A_61] {strides = array<i32>} : memref<2048xi32, #tpu.memory_space<vmem>>, vector<16xi32>,
    %add3A_63 = arith.constant 0 : i32
    %add3A_64 = vector.broadcast %add3A_63 : i32 to vector<16xi32>
    %add3A_65 = arith.addi %get3A_62, %add3A_64 : vector<16xi32>
    tpu.vector_store_idx %arg5[%add3A_65], %broadcast_in_dim3A_36 {add = true} : memref<256xf32, #tpu.memory_space<vmem>>[vector<16xi32>], vector<16xf32>,
    %get3A_66 = arith.constant 96 : index
    %get3A_67 = tpu.vector_load %arg4[%get3A_66] {strides = array<i32>} : memref<2048xi32, #tpu.memory_space<vmem>>, vector<16xi32>,
    %add3A_68 = arith.constant 0 : i32
    %add3A_69 = vector.broadcast %add3A_68 : i32 to vector<16xi32>
    %add3A_70 = arith.addi %get3A_67, %add3A_69 : vector<16xi32>
    tpu.vector_store_idx %arg5[%add3A_70], %broadcast_in_dim3A_36 {add = true} : memref<256xf32, #tpu.memory_space<vmem>>[vector<16xi32>], vector<16xf32>,
    %get3A_71 = arith.constant 112 : index
    %get3A_72 = tpu.vector_load %arg4[%get3A_71] {strides = array<i32>} : memref<2048xi32, #tpu.memory_space<vmem>>, vector<16xi32>,
    %add3A_73 = arith.constant 0 : i32
    %add3A_74 = vector.broadcast %add3A_73 : i32 to vector<16xi32>
    %add3A_75 = arith.addi %get3A_72, %add3A_74 : vector<16xi32>
    tpu.vector_store_idx %arg5[%add3A_75], %broadcast_in_dim3A_36 {add = true} : memref<256xf32, #tpu.memory_space<vmem>>[vector<16xi32>], vector<16xf32>,
    %get3A_76 = arith.constant 128 : index
    %get3A_77 = tpu.vector_load %arg4[%get3A_76] {strides = array<i32>} : memref<2048xi32, #tpu.memory_space<vmem>>, vector<16xi32>,
    %add3A_78 = arith.constant 0 : i32
    %add3A_79 = vector.broadcast %add3A_78 : i32 to vector<16xi32>
    %add3A_80 = arith.addi %get3A_77, %add3A_79 : vector<16xi32>
    tpu.vector_store_idx %arg5[%add3A_80], %broadcast_in_dim3A_36 {add = true} : memref<256xf32, #tpu.memory_space<vmem>>[vector<16xi32>], vector<16xf32>,
    %get3A_81 = arith.constant 144 : index
    %get3A_82 = tpu.vector_load %arg4[%get3A_81] {strides = array<i32>} : memref<2048xi32, #tpu.memory_space<vmem>>, vector<16xi32>,
    %add3A_83 = arith.constant 0 : i32
    %add3A_84 = vector.broadcast %add3A_83 : i32 to vector<16xi32>
    %add3A_85 = arith.addi %get3A_82, %add3A_84 : vector<16xi32>
    tpu.vector_store_idx %arg5[%add3A_85], %broadcast_in_dim3A_36 {add = true} : memref<256xf32, #tpu.memory_space<vmem>>[vector<16xi32>], vector<16xf32>,
    %get3A_86 = arith.constant 160 : index
    %get3A_87 = tpu.vector_load %arg4[%get3A_86] {strides = array<i32>} : memref<2048xi32, #tpu.memory_space<vmem>>, vector<16xi32>,
    %add3A_88 = arith.constant 0 : i32
    %add3A_89 = vector.broadcast %add3A_88 : i32 to vector<16xi32>
    %add3A_90 = arith.addi %get3A_87, %add3A_89 : vector<16xi32>
    tpu.vector_store_idx %arg5[%add3A_90], %broadcast_in_dim3A_36 {add = true} : memref<256xf32, #tpu.memory_space<vmem>>[vector<16xi32>], vector<16xf32>,
    %get3A_91 = arith.constant 176 : index
    %get3A_92 = tpu.vector_load %arg4[%get3A_91] {strides = array<i32>} : memref<2048xi32, #tpu.memory_space<vmem>>, vector<16xi32>,
    %add3A_93 = arith.constant 0 : i32
    %add3A_94 = vector.broadcast %add3A_93 : i32 to vector<16xi32>
    %add3A_95 = arith.addi %get3A_92, %add3A_94 : vector<16xi32>
    tpu.vector_store_idx %arg5[%add3A_95], %broadcast_in_dim3A_36 {add = true} : memref<256xf32, #tpu.memory_space<vmem>>[vector<16xi32>], vector<16xf32>,
    %get3A_96 = arith.constant 192 : index
    %get3A_97 = tpu.vector_load %arg4[%get3A_96] {strides = array<i32>} : memref<2048xi32, #tpu.memory_space<vmem>>, vector<16xi32>,
    %add3A_98 = arith.constant 0 : i32
    %add3A_99 = vector.broadcast %add3A_98 : i32 to vector<16xi32>
    %add3A_100 = arith.addi %get3A_97, %add3A_99 : vector<16xi32>
    tpu.vector_store_idx %arg5[%add3A_100], %broadcast_in_dim3A_36 {add = true} : memref<256xf32, #tpu.memory_space<vmem>>[vector<16xi32>], vector<16xf32>,
    %get3A_101 = arith.constant 208 : index
    %get3A_102 = tpu.vector_load %arg4[%get3A_101] {strides = array<i32>} : memref<2048xi32, #tpu.memory_space<vmem>>, vector<16xi32>,
    %add3A_103 = arith.constant 0 : i32
    %add3A_104 = vector.broadcast %add3A_103 : i32 to vector<16xi32>
    %add3A_105 = arith.addi %get3A_102, %add3A_104 : vector<16xi32>
    tpu.vector_store_idx %arg5[%add3A_105], %broadcast_in_dim3A_36 {add = true} : memref<256xf32, #tpu.memory_space<vmem>>[vector<16xi32>], vector<16xf32>,
    %get3A_106 = arith.constant 224 : index
    %get3A_107 = tpu.vector_load %arg4[%get3A_106] {strides = array<i32>} : memref<2048xi32, #tpu.memory_space<vmem>>, vector<16xi32>,
    %add3A_108 = arith.constant 0 : i32
    %add3A_109 = vector.broadcast %add3A_108 : i32 to vector<16xi32>
    %add3A_110 = arith.addi %get3A_107, %add3A_109 : vector<16xi32>
    tpu.vector_store_idx %arg5[%add3A_110], %broadcast_in_dim3A_36 {add = true} : memref<256xf32, #tpu.memory_space<vmem>>[vector<16xi32>], vector<16xf32>,
    %get3A_111 = arith.constant 240 : index
    %get3A_112 = tpu.vector_load %arg4[%get3A_111] {strides = array<i32>} : memref<2048xi32, #tpu.memory_space<vmem>>, vector<16xi32>,
    %add3A_113 = arith.constant 0 : i32
    %add3A_114 = vector.broadcast %add3A_113 : i32 to vector<16xi32>
    %add3A_115 = arith.addi %get3A_112, %add3A_114 : vector<16xi32>
    tpu.vector_store_idx %arg5[%add3A_115], %broadcast_in_dim3A_36 {add = true} : memref<256xf32, #tpu.memory_space<vmem>>[vector<16xi32>], vector<16xf32>,
    %get3A_116 = arith.constant 256 : index
    %get3A_117 = tpu.vector_load %arg4[%get3A_116] {strides = array<i32>} : memref<2048xi32, #tpu.memory_space<vmem>>, vector<16xi32>,
    %add3A_118 = arith.constant 0 : i32
    %add3A_119 = vector.broadcast %add3A_118 : i32 to vector<16xi32>
    %add3A_120 = arith.addi %get3A_117, %add3A_119 : vector<16xi32>
    tpu.vector_store_idx %arg5[%add3A_120], %broadcast_in_dim3A_36 {add = true} : memref<256xf32, #tpu.memory_space<vmem>>[vector<16xi32>], vector<16xf32>,
    %get3A_121 = arith.constant 272 : index
    %get3A_122 = tpu.vector_load %arg4[%get3A_121] {strides = array<i32>} : memref<2048xi32, #tpu.memory_space<vmem>>, vector<16xi32>,
    %add3A_123 = arith.constant 0 : i32
    %add3A_124 = vector.broadcast %add3A_123 : i32 to vector<16xi32>
    %add3A_125 = arith.addi %get3A_122, %add3A_124 : vector<16xi32>
    tpu.vector_store_idx %arg5[%add3A_125], %broadcast_in_dim3A_36 {add = true} : memref<256xf32, #tpu.memory_space<vmem>>[vector<16xi32>], vector<16xf32>,
    %get3A_126 = arith.constant 288 : index
    %get3A_127 = tpu.vector_load %arg4[%get3A_126] {strides = array<i32>} : memref<2048xi32, #tpu.memory_space<vmem>>, vector<16xi32>,
    %add3A_128 = arith.constant 0 : i32
    %add3A_129 = vector.broadcast %add3A_128 : i32 to vector<16xi32>
    %add3A_130 = arith.addi %get3A_127, %add3A_129 : vector<16xi32>
    tpu.vector_store_idx %arg5[%add3A_130], %broadcast_in_dim3A_36 {add = true} : memref<256xf32, #tpu.memory_space<vmem>>[vector<16xi32>], vector<16xf32>,
    %get3A_131 = arith.constant 304 : index
    %get3A_132 = tpu.vector_load %arg4[%get3A_131] {strides = array<i32>} : memref<2048xi32, #tpu.memory_space<vmem>>, vector<16xi32>,
    %add3A_133 = arith.constant 0 : i32
    %add3A_134 = vector.broadcast %add3A_133 : i32 to vector<16xi32>
    %add3A_135 = arith.addi %get3A_132, %add3A_134 : vector<16xi32>
    tpu.vector_store_idx %arg5[%add3A_135], %broadcast_in_dim3A_36 {add = true} : memref<256xf32, #tpu.memory_space<vmem>>[vector<16xi32>], vector<16xf32>,
    %get3A_136 = arith.constant 320 : index
    %get3A_137 = tpu.vector_load %arg4[%get3A_136] {strides = array<i32>} : memref<2048xi32, #tpu.memory_space<vmem>>, vector<16xi32>,
    %add3A_138 = arith.constant 0 : i32
    %add3A_139 = vector.broadcast %add3A_138 : i32 to vector<16xi32>
    %add3A_140 = arith.addi %get3A_137, %add3A_139 : vector<16xi32>
    tpu.vector_store_idx %arg5[%add3A_140], %broadcast_in_dim3A_36 {add = true} : memref<256xf32, #tpu.memory_space<vmem>>[vector<16xi32>], vector<16xf32>,
    %get3A_141 = arith.constant 336 : index
    %get3A_142 = tpu.vector_load %arg4[%get3A_141] {strides = array<i32>} : memref<2048xi32, #tpu.memory_space<vmem>>, vector<16xi32>,
    %add3A_143 = arith.constant 0 : i32
    %add3A_144 = vector.broadcast %add3A_143 : i32 to vector<16xi32>
    %add3A_145 = arith.addi %get3A_142, %add3A_144 : vector<16xi32>
    tpu.vector_store_idx %arg5[%add3A_145], %broadcast_in_dim3A_36 {add = true} : memref<256xf32, #tpu.memory_space<vmem>>[vector<16xi32>], vector<16xf32>,
    %get3A_146 = arith.constant 352 : index
    %get3A_147 = tpu.vector_load %arg4[%get3A_146] {strides = array<i32>} : memref<2048xi32, #tpu.memory_space<vmem>>, vector<16xi32>,
    %add3A_148 = arith.constant 0 : i32
    %add3A_149 = vector.broadcast %add3A_148 : i32 to vector<16xi32>
    %add3A_150 = arith.addi %get3A_147, %add3A_149 : vector<16xi32>
    tpu.vector_store_idx %arg5[%add3A_150], %broadcast_in_dim3A_36 {add = true} : memref<256xf32, #tpu.memory_space<vmem>>[vector<16xi32>], vector<16xf32>,
    %get3A_151 = arith.constant 368 : index
    %get3A_152 = tpu.vector_load %arg4[%get3A_151] {strides = array<i32>} : memref<2048xi32, #tpu.memory_space<vmem>>, vector<16xi32>,
    %add3A_153 = arith.constant 0 : i32
    %add3A_154 = vector.broadcast %add3A_153 : i32 to vector<16xi32>
    %add3A_155 = arith.addi %get3A_152, %add3A_154 : vector<16xi32>
    tpu.vector_store_idx %arg5[%add3A_155], %broadcast_in_dim3A_36 {add = true} : memref<256xf32, #tpu.memory_space<vmem>>[vector<16xi32>], vector<16xf32>,
    %get3A_156 = arith.constant 384 : index
    %get3A_157 = tpu.vector_load %arg4[%get3A_156] {strides = array<i32>} : memref<2048xi32, #tpu.memory_space<vmem>>, vector<16xi32>,
    %add3A_158 = arith.constant 0 : i32
    %add3A_159 = vector.broadcast %add3A_158 : i32 to vector<16xi32>
    %add3A_160 = arith.addi %get3A_157, %add3A_159 : vector<16xi32>
    tpu.vector_store_idx %arg5[%add3A_160], %broadcast_in_dim3A_36 {add = true} : memref<256xf32, #tpu.memory_space<vmem>>[vector<16xi32>], vector<16xf32>,
    %get3A_161 = arith.constant 400 : index
    %get3A_162 = tpu.vector_load %arg4[%get3A_161] {strides = array<i32>} : memref<2048xi32, #tpu.memory_space<vmem>>, vector<16xi32>,
    %add3A_163 = arith.constant 0 : i32
    %add3A_164 = vector.broadcast %add3A_163 : i32 to vector<16xi32>
    %add3A_165 = arith.addi %get3A_162, %add3A_164 : vector<16xi32>
    tpu.vector_store_idx %arg5[%add3A_165], %broadcast_in_dim3A_36 {add = true} : memref<256xf32, #tpu.memory_space<vmem>>[vector<16xi32>], vector<16xf32>,
    %get3A_166 = arith.constant 416 : index
    %get3A_167 = tpu.vector_load %arg4[%get3A_166] {strides = array<i32>} : memref<2048xi32, #tpu.memory_space<vmem>>, vector<16xi32>,
    %add3A_168 = arith.constant 0 : i32
    %add3A_169 = vector.broadcast %add3A_168 : i32 to vector<16xi32>
    %add3A_170 = arith.addi %get3A_167, %add3A_169 : vector<16xi32>
    tpu.vector_store_idx %arg5[%add3A_170], %broadcast_in_dim3A_36 {add = true} : memref<256xf32, #tpu.memory_space<vmem>>[vector<16xi32>], vector<16xf32>,
    %get3A_171 = arith.constant 432 : index
    %get3A_172 = tpu.vector_load %arg4[%get3A_171] {strides = array<i32>} : memref<2048xi32, #tpu.memory_space<vmem>>, vector<16xi32>,
    %add3A_173 = arith.constant 0 : i32
    %add3A_174 = vector.broadcast %add3A_173 : i32 to vector<16xi32>
    %add3A_175 = arith.addi %get3A_172, %add3A_174 : vector<16xi32>
    tpu.vector_store_idx %arg5[%add3A_175], %broadcast_in_dim3A_36 {add = true} : memref<256xf32, #tpu.memory_space<vmem>>[vector<16xi32>], vector<16xf32>,
    %get3A_176 = arith.constant 448 : index
    %get3A_177 = tpu.vector_load %arg4[%get3A_176] {strides = array<i32>} : memref<2048xi32, #tpu.memory_space<vmem>>, vector<16xi32>,
    %add3A_178 = arith.constant 0 : i32
    %add3A_179 = vector.broadcast %add3A_178 : i32 to vector<16xi32>
    %add3A_180 = arith.addi %get3A_177, %add3A_179 : vector<16xi32>
    tpu.vector_store_idx %arg5[%add3A_180], %broadcast_in_dim3A_36 {add = true} : memref<256xf32, #tpu.memory_space<vmem>>[vector<16xi32>], vector<16xf32>,
    %get3A_181 = arith.constant 464 : index
    %get3A_182 = tpu.vector_load %arg4[%get3A_181] {strides = array<i32>} : memref<2048xi32, #tpu.memory_space<vmem>>, vector<16xi32>,
    %add3A_183 = arith.constant 0 : i32
    %add3A_184 = vector.broadcast %add3A_183 : i32 to vector<16xi32>
    %add3A_185 = arith.addi %get3A_182, %add3A_184 : vector<16xi32>
    tpu.vector_store_idx %arg5[%add3A_185], %broadcast_in_dim3A_36 {add = true} : memref<256xf32, #tpu.memory_space<vmem>>[vector<16xi32>], vector<16xf32>,
    %get3A_186 = arith.constant 480 : index
    %get3A_187 = tpu.vector_load %arg4[%get3A_186] {strides = array<i32>} : memref<2048xi32, #tpu.memory_space<vmem>>, vector<16xi32>,
    %add3A_188 = arith.constant 0 : i32
    %add3A_189 = vector.broadcast %add3A_188 : i32 to vector<16xi32>
    %add3A_190 = arith.addi %get3A_187, %add3A_189 : vector<16xi32>
    tpu.vector_store_idx %arg5[%add3A_190], %broadcast_in_dim3A_36 {add = true} : memref<256xf32, #tpu.memory_space<vmem>>[vector<16xi32>], vector<16xf32>,
    %get3A_191 = arith.constant 496 : index
    %get3A_192 = tpu.vector_load %arg4[%get3A_191] {strides = array<i32>} : memref<2048xi32, #tpu.memory_space<vmem>>, vector<16xi32>,
    %add3A_193 = arith.constant 0 : i32
    %add3A_194 = vector.broadcast %add3A_193 : i32 to vector<16xi32>
    %add3A_195 = arith.addi %get3A_192, %add3A_194 : vector<16xi32>
    tpu.vector_store_idx %arg5[%add3A_195], %broadcast_in_dim3A_36 {add = true} : memref<256xf32, #tpu.memory_space<vmem>>[vector<16xi32>], vector<16xf32>,
    %get3A_196 = arith.constant 512 : index
    %get3A_197 = tpu.vector_load %arg4[%get3A_196] {strides = array<i32>} : memref<2048xi32, #tpu.memory_space<vmem>>, vector<16xi32>,
    %add3A_198 = arith.constant 64 : i32
    %add3A_199 = vector.broadcast %add3A_198 : i32 to vector<16xi32>
    %add3A_200 = arith.addi %get3A_197, %add3A_199 : vector<16xi32>
    tpu.vector_store_idx %arg5[%add3A_200], %broadcast_in_dim3A_36 {add = true} : memref<256xf32, #tpu.memory_space<vmem>>[vector<16xi32>], vector<16xf32>,
    %get3A_201 = arith.constant 528 : index
    %get3A_202 = tpu.vector_load %arg4[%get3A_201] {strides = array<i32>} : memref<2048xi32, #tpu.memory_space<vmem>>, vector<16xi32>,
    %add3A_203 = arith.constant 64 : i32
    %add3A_204 = vector.broadcast %add3A_203 : i32 to vector<16xi32>
    %add3A_205 = arith.addi %get3A_202, %add3A_204 : vector<16xi32>
    tpu.vector_store_idx %arg5[%add3A_205], %broadcast_in_dim3A_36 {add = true} : memref<256xf32, #tpu.memory_space<vmem>>[vector<16xi32>], vector<16xf32>,
    %get3A_206 = arith.constant 544 : index
    %get3A_207 = tpu.vector_load %arg4[%get3A_206] {strides = array<i32>} : memref<2048xi32, #tpu.memory_space<vmem>>, vector<16xi32>,
    %add3A_208 = arith.constant 64 : i32
    %add3A_209 = vector.broadcast %add3A_208 : i32 to vector<16xi32>
    %add3A_210 = arith.addi %get3A_207, %add3A_209 : vector<16xi32>
    tpu.vector_store_idx %arg5[%add3A_210], %broadcast_in_dim3A_36 {add = true} : memref<256xf32, #tpu.memory_space<vmem>>[vector<16xi32>], vector<16xf32>,
    %get3A_211 = arith.constant 560 : index
    %get3A_212 = tpu.vector_load %arg4[%get3A_211] {strides = array<i32>} : memref<2048xi32, #tpu.memory_space<vmem>>, vector<16xi32>,
    %add3A_213 = arith.constant 64 : i32
    %add3A_214 = vector.broadcast %add3A_213 : i32 to vector<16xi32>
    %add3A_215 = arith.addi %get3A_212, %add3A_214 : vector<16xi32>
    tpu.vector_store_idx %arg5[%add3A_215], %broadcast_in_dim3A_36 {add = true} : memref<256xf32, #tpu.memory_space<vmem>>[vector<16xi32>], vector<16xf32>,
    %get3A_216 = arith.constant 576 : index
    %get3A_217 = tpu.vector_load %arg4[%get3A_216] {strides = array<i32>} : memref<2048xi32, #tpu.memory_space<vmem>>, vector<16xi32>,
    %add3A_218 = arith.constant 64 : i32
    %add3A_219 = vector.broadcast %add3A_218 : i32 to vector<16xi32>
    %add3A_220 = arith.addi %get3A_217, %add3A_219 : vector<16xi32>
    tpu.vector_store_idx %arg5[%add3A_220], %broadcast_in_dim3A_36 {add = true} : memref<256xf32, #tpu.memory_space<vmem>>[vector<16xi32>], vector<16xf32>,
    %get3A_221 = arith.constant 592 : index
    %get3A_222 = tpu.vector_load %arg4[%get3A_221] {strides = array<i32>} : memref<2048xi32, #tpu.memory_space<vmem>>, vector<16xi32>,
    %add3A_223 = arith.constant 64 : i32
    %add3A_224 = vector.broadcast %add3A_223 : i32 to vector<16xi32>
    %add3A_225 = arith.addi %get3A_222, %add3A_224 : vector<16xi32>
    tpu.vector_store_idx %arg5[%add3A_225], %broadcast_in_dim3A_36 {add = true} : memref<256xf32, #tpu.memory_space<vmem>>[vector<16xi32>], vector<16xf32>,
    %get3A_226 = arith.constant 608 : index
    %get3A_227 = tpu.vector_load %arg4[%get3A_226] {strides = array<i32>} : memref<2048xi32, #tpu.memory_space<vmem>>, vector<16xi32>,
    %add3A_228 = arith.constant 64 : i32
    %add3A_229 = vector.broadcast %add3A_228 : i32 to vector<16xi32>
    %add3A_230 = arith.addi %get3A_227, %add3A_229 : vector<16xi32>
    tpu.vector_store_idx %arg5[%add3A_230], %broadcast_in_dim3A_36 {add = true} : memref<256xf32, #tpu.memory_space<vmem>>[vector<16xi32>], vector<16xf32>,
    %get3A_231 = arith.constant 624 : index
    %get3A_232 = tpu.vector_load %arg4[%get3A_231] {strides = array<i32>} : memref<2048xi32, #tpu.memory_space<vmem>>, vector<16xi32>,
    %add3A_233 = arith.constant 64 : i32
    %add3A_234 = vector.broadcast %add3A_233 : i32 to vector<16xi32>
    %add3A_235 = arith.addi %get3A_232, %add3A_234 : vector<16xi32>
    tpu.vector_store_idx %arg5[%add3A_235], %broadcast_in_dim3A_36 {add = true} : memref<256xf32, #tpu.memory_space<vmem>>[vector<16xi32>], vector<16xf32>,
    %get3A_236 = arith.constant 640 : index
    %get3A_237 = tpu.vector_load %arg4[%get3A_236] {strides = array<i32>} : memref<2048xi32, #tpu.memory_space<vmem>>, vector<16xi32>,
    %add3A_238 = arith.constant 64 : i32
    %add3A_239 = vector.broadcast %add3A_238 : i32 to vector<16xi32>
    %add3A_240 = arith.addi %get3A_237, %add3A_239 : vector<16xi32>
    tpu.vector_store_idx %arg5[%add3A_240], %broadcast_in_dim3A_36 {add = true} : memref<256xf32, #tpu.memory_space<vmem>>[vector<16xi32>], vector<16xf32>,
    %get3A_241 = arith.constant 656 : index
    %get3A_242 = tpu.vector_load %arg4[%get3A_241] {strides = array<i32>} : memref<2048xi32, #tpu.memory_space<vmem>>, vector<16xi32>,
    %add3A_243 = arith.constant 64 : i32
    %add3A_244 = vector.broadcast %add3A_243 : i32 to vector<16xi32>
    %add3A_245 = arith.addi %get3A_242, %add3A_244 : vector<16xi32>
    tpu.vector_store_idx %arg5[%add3A_245], %broadcast_in_dim3A_36 {add = true} : memref<256xf32, #tpu.memory_space<vmem>>[vector<16xi32>], vector<16xf32>,
    %get3A_246 = arith.constant 672 : index
    %get3A_247 = tpu.vector_load %arg4[%get3A_246] {strides = array<i32>} : memref<2048xi32, #tpu.memory_space<vmem>>, vector<16xi32>,
    %add3A_248 = arith.constant 64 : i32
    %add3A_249 = vector.broadcast %add3A_248 : i32 to vector<16xi32>
    %add3A_250 = arith.addi %get3A_247, %add3A_249 : vector<16xi32>
    tpu.vector_store_idx %arg5[%add3A_250], %broadcast_in_dim3A_36 {add = true} : memref<256xf32, #tpu.memory_space<vmem>>[vector<16xi32>], vector<16xf32>,
    %get3A_251 = arith.constant 688 : index
    %get3A_252 = tpu.vector_load %arg4[%get3A_251] {strides = array<i32>} : memref<2048xi32, #tpu.memory_space<vmem>>, vector<16xi32>,
    %add3A_253 = arith.constant 64 : i32
    %add3A_254 = vector.broadcast %add3A_253 : i32 to vector<16xi32>
    %add3A_255 = arith.addi %get3A_252, %add3A_254 : vector<16xi32>
    tpu.vector_store_idx %arg5[%add3A_255], %broadcast_in_dim3A_36 {add = true} : memref<256xf32, #tpu.memory_space<vmem>>[vector<16xi32>], vector<16xf32>,
    %get3A_256 = arith.constant 704 : index
    %get3A_257 = tpu.vector_load %arg4[%get3A_256] {strides = array<i32>} : memref<2048xi32, #tpu.memory_space<vmem>>, vector<16xi32>,
    %add3A_258 = arith.constant 64 : i32
    %add3A_259 = vector.broadcast %add3A_258 : i32 to vector<16xi32>
    %add3A_260 = arith.addi %get3A_257, %add3A_259 : vector<16xi32>
    tpu.vector_store_idx %arg5[%add3A_260], %broadcast_in_dim3A_36 {add = true} : memref<256xf32, #tpu.memory_space<vmem>>[vector<16xi32>], vector<16xf32>,
    %get3A_261 = arith.constant 720 : index
    %get3A_262 = tpu.vector_load %arg4[%get3A_261] {strides = array<i32>} : memref<2048xi32, #tpu.memory_space<vmem>>, vector<16xi32>,
    %add3A_263 = arith.constant 64 : i32
    %add3A_264 = vector.broadcast %add3A_263 : i32 to vector<16xi32>
    %add3A_265 = arith.addi %get3A_262, %add3A_264 : vector<16xi32>
    tpu.vector_store_idx %arg5[%add3A_265], %broadcast_in_dim3A_36 {add = true} : memref<256xf32, #tpu.memory_space<vmem>>[vector<16xi32>], vector<16xf32>,
    %get3A_266 = arith.constant 736 : index
    %get3A_267 = tpu.vector_load %arg4[%get3A_266] {strides = array<i32>} : memref<2048xi32, #tpu.memory_space<vmem>>, vector<16xi32>,
    %add3A_268 = arith.constant 64 : i32
    %add3A_269 = vector.broadcast %add3A_268 : i32 to vector<16xi32>
    %add3A_270 = arith.addi %get3A_267, %add3A_269 : vector<16xi32>
    tpu.vector_store_idx %arg5[%add3A_270], %broadcast_in_dim3A_36 {add = true} : memref<256xf32, #tpu.memory_space<vmem>>[vector<16xi32>], vector<16xf32>,
    %get3A_271 = arith.constant 752 : index
    %get3A_272 = tpu.vector_load %arg4[%get3A_271] {strides = array<i32>} : memref<2048xi32, #tpu.memory_space<vmem>>, vector<16xi32>,
    %add3A_273 = arith.constant 64 : i32
    %add3A_274 = vector.broadcast %add3A_273 : i32 to vector<16xi32>
    %add3A_275 = arith.addi %get3A_272, %add3A_274 : vector<16xi32>
    tpu.vector_store_idx %arg5[%add3A_275], %broadcast_in_dim3A_36 {add = true} : memref<256xf32, #tpu.memory_space<vmem>>[vector<16xi32>], vector<16xf32>,
    %get3A_276 = arith.constant 768 : index
    %get3A_277 = tpu.vector_load %arg4[%get3A_276] {strides = array<i32>} : memref<2048xi32, #tpu.memory_space<vmem>>, vector<16xi32>,
    %add3A_278 = arith.constant 64 : i32
    %add3A_279 = vector.broadcast %add3A_278 : i32 to vector<16xi32>
    %add3A_280 = arith.addi %get3A_277, %add3A_279 : vector<16xi32>
    tpu.vector_store_idx %arg5[%add3A_280], %broadcast_in_dim3A_36 {add = true} : memref<256xf32, #tpu.memory_space<vmem>>[vector<16xi32>], vector<16xf32>,
    %get3A_281 = arith.constant 784 : index
    %get3A_282 = tpu.vector_load %arg4[%get3A_281] {strides = array<i32>} : memref<2048xi32, #tpu.memory_space<vmem>>, vector<16xi32>,
    %add3A_283 = arith.constant 64 : i32
    %add3A_284 = vector.broadcast %add3A_283 : i32 to vector<16xi32>
    %add3A_285 = arith.addi %get3A_282, %add3A_284 : vector<16xi32>
    tpu.vector_store_idx %arg5[%add3A_285], %broadcast_in_dim3A_36 {add = true} : memref<256xf32, #tpu.memory_space<vmem>>[vector<16xi32>], vector<16xf32>,
    %get3A_286 = arith.constant 800 : index
    %get3A_287 = tpu.vector_load %arg4[%get3A_286] {strides = array<i32>} : memref<2048xi32, #tpu.memory_space<vmem>>, vector<16xi32>,
    %add3A_288 = arith.constant 64 : i32
    %add3A_289 = vector.broadcast %add3A_288 : i32 to vector<16xi32>
    %add3A_290 = arith.addi %get3A_287, %add3A_289 : vector<16xi32>
    tpu.vector_store_idx %arg5[%add3A_290], %broadcast_in_dim3A_36 {add = true} : memref<256xf32, #tpu.memory_space<vmem>>[vector<16xi32>], vector<16xf32>,
    %get3A_291 = arith.constant 816 : index
    %get3A_292 = tpu.vector_load %arg4[%get3A_291] {strides = array<i32>} : memref<2048xi32, #tpu.memory_space<vmem>>, vector<16xi32>,
    %add3A_293 = arith.constant 64 : i32
    %add3A_294 = vector.broadcast %add3A_293 : i32 to vector<16xi32>
    %add3A_295 = arith.addi %get3A_292, %add3A_294 : vector<16xi32>
    tpu.vector_store_idx %arg5[%add3A_295], %broadcast_in_dim3A_36 {add = true} : memref<256xf32, #tpu.memory_space<vmem>>[vector<16xi32>], vector<16xf32>,
    %get3A_296 = arith.constant 832 : index
    %get3A_297 = tpu.vector_load %arg4[%get3A_296] {strides = array<i32>} : memref<2048xi32, #tpu.memory_space<vmem>>, vector<16xi32>,
    %add3A_298 = arith.constant 64 : i32
    %add3A_299 = vector.broadcast %add3A_298 : i32 to vector<16xi32>
    %add3A_300 = arith.addi %get3A_297, %add3A_299 : vector<16xi32>
    tpu.vector_store_idx %arg5[%add3A_300], %broadcast_in_dim3A_36 {add = true} : memref<256xf32, #tpu.memory_space<vmem>>[vector<16xi32>], vector<16xf32>,
    %get3A_301 = arith.constant 848 : index
    %get3A_302 = tpu.vector_load %arg4[%get3A_301] {strides = array<i32>} : memref<2048xi32, #tpu.memory_space<vmem>>, vector<16xi32>,
    %add3A_303 = arith.constant 64 : i32
    %add3A_304 = vector.broadcast %add3A_303 : i32 to vector<16xi32>
    %add3A_305 = arith.addi %get3A_302, %add3A_304 : vector<16xi32>
    tpu.vector_store_idx %arg5[%add3A_305], %broadcast_in_dim3A_36 {add = true} : memref<256xf32, #tpu.memory_space<vmem>>[vector<16xi32>], vector<16xf32>,
    %get3A_306 = arith.constant 864 : index
    %get3A_307 = tpu.vector_load %arg4[%get3A_306] {strides = array<i32>} : memref<2048xi32, #tpu.memory_space<vmem>>, vector<16xi32>,
    %add3A_308 = arith.constant 64 : i32
    %add3A_309 = vector.broadcast %add3A_308 : i32 to vector<16xi32>
    %add3A_310 = arith.addi %get3A_307, %add3A_309 : vector<16xi32>
    tpu.vector_store_idx %arg5[%add3A_310], %broadcast_in_dim3A_36 {add = true} : memref<256xf32, #tpu.memory_space<vmem>>[vector<16xi32>], vector<16xf32>,
    %get3A_311 = arith.constant 880 : index
    %get3A_312 = tpu.vector_load %arg4[%get3A_311] {strides = array<i32>} : memref<2048xi32, #tpu.memory_space<vmem>>, vector<16xi32>,
    %add3A_313 = arith.constant 64 : i32
    %add3A_314 = vector.broadcast %add3A_313 : i32 to vector<16xi32>
    %add3A_315 = arith.addi %get3A_312, %add3A_314 : vector<16xi32>
    tpu.vector_store_idx %arg5[%add3A_315], %broadcast_in_dim3A_36 {add = true} : memref<256xf32, #tpu.memory_space<vmem>>[vector<16xi32>], vector<16xf32>,
    %get3A_316 = arith.constant 896 : index
    %get3A_317 = tpu.vector_load %arg4[%get3A_316] {strides = array<i32>} : memref<2048xi32, #tpu.memory_space<vmem>>, vector<16xi32>,
    %add3A_318 = arith.constant 64 : i32
    %add3A_319 = vector.broadcast %add3A_318 : i32 to vector<16xi32>
    %add3A_320 = arith.addi %get3A_317, %add3A_319 : vector<16xi32>
    tpu.vector_store_idx %arg5[%add3A_320], %broadcast_in_dim3A_36 {add = true} : memref<256xf32, #tpu.memory_space<vmem>>[vector<16xi32>], vector<16xf32>,
    %get3A_321 = arith.constant 912 : index
    %get3A_322 = tpu.vector_load %arg4[%get3A_321] {strides = array<i32>} : memref<2048xi32, #tpu.memory_space<vmem>>, vector<16xi32>,
    %add3A_323 = arith.constant 64 : i32
    %add3A_324 = vector.broadcast %add3A_323 : i32 to vector<16xi32>
    %add3A_325 = arith.addi %get3A_322, %add3A_324 : vector<16xi32>
    tpu.vector_store_idx %arg5[%add3A_325], %broadcast_in_dim3A_36 {add = true} : memref<256xf32, #tpu.memory_space<vmem>>[vector<16xi32>], vector<16xf32>,
    %get3A_326 = arith.constant 928 : index
    %get3A_327 = tpu.vector_load %arg4[%get3A_326] {strides = array<i32>} : memref<2048xi32, #tpu.memory_space<vmem>>, vector<16xi32>,
    %add3A_328 = arith.constant 64 : i32
    %add3A_329 = vector.broadcast %add3A_328 : i32 to vector<16xi32>
    %add3A_330 = arith.addi %get3A_327, %add3A_329 : vector<16xi32>
    tpu.vector_store_idx %arg5[%add3A_330], %broadcast_in_dim3A_36 {add = true} : memref<256xf32, #tpu.memory_space<vmem>>[vector<16xi32>], vector<16xf32>,
    %get3A_331 = arith.constant 944 : index
    %get3A_332 = tpu.vector_load %arg4[%get3A_331] {strides = array<i32>} : memref<2048xi32, #tpu.memory_space<vmem>>, vector<16xi32>,
    %add3A_333 = arith.constant 64 : i32
    %add3A_334 = vector.broadcast %add3A_333 : i32 to vector<16xi32>
    %add3A_335 = arith.addi %get3A_332, %add3A_334 : vector<16xi32>
    tpu.vector_store_idx %arg5[%add3A_335], %broadcast_in_dim3A_36 {add = true} : memref<256xf32, #tpu.memory_space<vmem>>[vector<16xi32>], vector<16xf32>,
    %get3A_336 = arith.constant 960 : index
    %get3A_337 = tpu.vector_load %arg4[%get3A_336] {strides = array<i32>} : memref<2048xi32, #tpu.memory_space<vmem>>, vector<16xi32>,
    %add3A_338 = arith.constant 64 : i32
    %add3A_339 = vector.broadcast %add3A_338 : i32 to vector<16xi32>
    %add3A_340 = arith.addi %get3A_337, %add3A_339 : vector<16xi32>
    tpu.vector_store_idx %arg5[%add3A_340], %broadcast_in_dim3A_36 {add = true} : memref<256xf32, #tpu.memory_space<vmem>>[vector<16xi32>], vector<16xf32>,
    %get3A_341 = arith.constant 976 : index
    %get3A_342 = tpu.vector_load %arg4[%get3A_341] {strides = array<i32>} : memref<2048xi32, #tpu.memory_space<vmem>>, vector<16xi32>,
    %add3A_343 = arith.constant 64 : i32
    %add3A_344 = vector.broadcast %add3A_343 : i32 to vector<16xi32>
    %add3A_345 = arith.addi %get3A_342, %add3A_344 : vector<16xi32>
    tpu.vector_store_idx %arg5[%add3A_345], %broadcast_in_dim3A_36 {add = true} : memref<256xf32, #tpu.memory_space<vmem>>[vector<16xi32>], vector<16xf32>,
    %get3A_346 = arith.constant 992 : index
    %get3A_347 = tpu.vector_load %arg4[%get3A_346] {strides = array<i32>} : memref<2048xi32, #tpu.memory_space<vmem>>, vector<16xi32>,
    %add3A_348 = arith.constant 64 : i32
    %add3A_349 = vector.broadcast %add3A_348 : i32 to vector<16xi32>
    %add3A_350 = arith.addi %get3A_347, %add3A_349 : vector<16xi32>
    tpu.vector_store_idx %arg5[%add3A_350], %broadcast_in_dim3A_36 {add = true} : memref<256xf32, #tpu.memory_space<vmem>>[vector<16xi32>], vector<16xf32>,
    %get3A_351 = arith.constant 1008 : index
    %get3A_352 = tpu.vector_load %arg4[%get3A_351] {strides = array<i32>} : memref<2048xi32, #tpu.memory_space<vmem>>, vector<16xi32>,
    %add3A_353 = arith.constant 64 : i32
    %add3A_354 = vector.broadcast %add3A_353 : i32 to vector<16xi32>
    %add3A_355 = arith.addi %get3A_352, %add3A_354 : vector<16xi32>
    tpu.vector_store_idx %arg5[%add3A_355], %broadcast_in_dim3A_36 {add = true} : memref<256xf32, #tpu.memory_space<vmem>>[vector<16xi32>], vector<16xf32>,
    %get3A_356 = arith.constant 1024 : index
    %get3A_357 = tpu.vector_load %arg4[%get3A_356] {strides = array<i32>} : memref<2048xi32, #tpu.memory_space<vmem>>, vector<16xi32>,
    %add3A_358 = arith.constant 128 : i32
    %add3A_359 = vector.broadcast %add3A_358 : i32 to vector<16xi32>
    %add3A_360 = arith.addi %get3A_357, %add3A_359 : vector<16xi32>
    tpu.vector_store_idx %arg5[%add3A_360], %broadcast_in_dim3A_36 {add = true} : memref<256xf32, #tpu.memory_space<vmem>>[vector<16xi32>], vector<16xf32>,
    %get3A_361 = arith.constant 1040 : index
    %get3A_362 = tpu.vector_load %arg4[%get3A_361] {strides = array<i32>} : memref<2048xi32, #tpu.memory_space<vmem>>, vector<16xi32>,
    %add3A_363 = arith.constant 128 : i32
    %add3A_364 = vector.broadcast %add3A_363 : i32 to vector<16xi32>
    %add3A_365 = arith.addi %get3A_362, %add3A_364 : vector<16xi32>
    tpu.vector_store_idx %arg5[%add3A_365], %broadcast_in_dim3A_36 {add = true} : memref<256xf32, #tpu.memory_space<vmem>>[vector<16xi32>], vector<16xf32>,
    %get3A_366 = arith.constant 1056 : index
    %get3A_367 = tpu.vector_load %arg4[%get3A_366] {strides = array<i32>} : memref<2048xi32, #tpu.memory_space<vmem>>, vector<16xi32>,
    %add3A_368 = arith.constant 128 : i32
    %add3A_369 = vector.broadcast %add3A_368 : i32 to vector<16xi32>
    %add3A_370 = arith.addi %get3A_367, %add3A_369 : vector<16xi32>
    tpu.vector_store_idx %arg5[%add3A_370], %broadcast_in_dim3A_36 {add = true} : memref<256xf32, #tpu.memory_space<vmem>>[vector<16xi32>], vector<16xf32>,
    %get3A_371 = arith.constant 1072 : index
    %get3A_372 = tpu.vector_load %arg4[%get3A_371] {strides = array<i32>} : memref<2048xi32, #tpu.memory_space<vmem>>, vector<16xi32>,
    %add3A_373 = arith.constant 128 : i32
    %add3A_374 = vector.broadcast %add3A_373 : i32 to vector<16xi32>
    %add3A_375 = arith.addi %get3A_372, %add3A_374 : vector<16xi32>
    tpu.vector_store_idx %arg5[%add3A_375], %broadcast_in_dim3A_36 {add = true} : memref<256xf32, #tpu.memory_space<vmem>>[vector<16xi32>], vector<16xf32>,
    %get3A_376 = arith.constant 1088 : index
    %get3A_377 = tpu.vector_load %arg4[%get3A_376] {strides = array<i32>} : memref<2048xi32, #tpu.memory_space<vmem>>, vector<16xi32>,
    %add3A_378 = arith.constant 128 : i32
    %add3A_379 = vector.broadcast %add3A_378 : i32 to vector<16xi32>
    %add3A_380 = arith.addi %get3A_377, %add3A_379 : vector<16xi32>
    tpu.vector_store_idx %arg5[%add3A_380], %broadcast_in_dim3A_36 {add = true} : memref<256xf32, #tpu.memory_space<vmem>>[vector<16xi32>], vector<16xf32>,
    %get3A_381 = arith.constant 1104 : index
    %get3A_382 = tpu.vector_load %arg4[%get3A_381] {strides = array<i32>} : memref<2048xi32, #tpu.memory_space<vmem>>, vector<16xi32>,
    %add3A_383 = arith.constant 128 : i32
    %add3A_384 = vector.broadcast %add3A_383 : i32 to vector<16xi32>
    %add3A_385 = arith.addi %get3A_382, %add3A_384 : vector<16xi32>
    tpu.vector_store_idx %arg5[%add3A_385], %broadcast_in_dim3A_36 {add = true} : memref<256xf32, #tpu.memory_space<vmem>>[vector<16xi32>], vector<16xf32>,
    %get3A_386 = arith.constant 1120 : index
    %get3A_387 = tpu.vector_load %arg4[%get3A_386] {strides = array<i32>} : memref<2048xi32, #tpu.memory_space<vmem>>, vector<16xi32>,
    %add3A_388 = arith.constant 128 : i32
    %add3A_389 = vector.broadcast %add3A_388 : i32 to vector<16xi32>
    %add3A_390 = arith.addi %get3A_387, %add3A_389 : vector<16xi32>
    tpu.vector_store_idx %arg5[%add3A_390], %broadcast_in_dim3A_36 {add = true} : memref<256xf32, #tpu.memory_space<vmem>>[vector<16xi32>], vector<16xf32>,
    %get3A_391 = arith.constant 1136 : index
    %get3A_392 = tpu.vector_load %arg4[%get3A_391] {strides = array<i32>} : memref<2048xi32, #tpu.memory_space<vmem>>, vector<16xi32>,
    %add3A_393 = arith.constant 128 : i32
    %add3A_394 = vector.broadcast %add3A_393 : i32 to vector<16xi32>
    %add3A_395 = arith.addi %get3A_392, %add3A_394 : vector<16xi32>
    tpu.vector_store_idx %arg5[%add3A_395], %broadcast_in_dim3A_36 {add = true} : memref<256xf32, #tpu.memory_space<vmem>>[vector<16xi32>], vector<16xf32>,
    %get3A_396 = arith.constant 1152 : index
    %get3A_397 = tpu.vector_load %arg4[%get3A_396] {strides = array<i32>} : memref<2048xi32, #tpu.memory_space<vmem>>, vector<16xi32>,
    %add3A_398 = arith.constant 128 : i32
    %add3A_399 = vector.broadcast %add3A_398 : i32 to vector<16xi32>
    %add3A_400 = arith.addi %get3A_397, %add3A_399 : vector<16xi32>
    tpu.vector_store_idx %arg5[%add3A_400], %broadcast_in_dim3A_36 {add = true} : memref<256xf32, #tpu.memory_space<vmem>>[vector<16xi32>], vector<16xf32>,
    %get3A_401 = arith.constant 1168 : index
    %get3A_402 = tpu.vector_load %arg4[%get3A_401] {strides = array<i32>} : memref<2048xi32, #tpu.memory_space<vmem>>, vector<16xi32>,
    %add3A_403 = arith.constant 128 : i32
    %add3A_404 = vector.broadcast %add3A_403 : i32 to vector<16xi32>
    %add3A_405 = arith.addi %get3A_402, %add3A_404 : vector<16xi32>
    tpu.vector_store_idx %arg5[%add3A_405], %broadcast_in_dim3A_36 {add = true} : memref<256xf32, #tpu.memory_space<vmem>>[vector<16xi32>], vector<16xf32>,
    %get3A_406 = arith.constant 1184 : index
    %get3A_407 = tpu.vector_load %arg4[%get3A_406] {strides = array<i32>} : memref<2048xi32, #tpu.memory_space<vmem>>, vector<16xi32>,
    %add3A_408 = arith.constant 128 : i32
    %add3A_409 = vector.broadcast %add3A_408 : i32 to vector<16xi32>
    %add3A_410 = arith.addi %get3A_407, %add3A_409 : vector<16xi32>
    tpu.vector_store_idx %arg5[%add3A_410], %broadcast_in_dim3A_36 {add = true} : memref<256xf32, #tpu.memory_space<vmem>>[vector<16xi32>], vector<16xf32>,
    %get3A_411 = arith.constant 1200 : index
    %get3A_412 = tpu.vector_load %arg4[%get3A_411] {strides = array<i32>} : memref<2048xi32, #tpu.memory_space<vmem>>, vector<16xi32>,
    %add3A_413 = arith.constant 128 : i32
    %add3A_414 = vector.broadcast %add3A_413 : i32 to vector<16xi32>
    %add3A_415 = arith.addi %get3A_412, %add3A_414 : vector<16xi32>
    tpu.vector_store_idx %arg5[%add3A_415], %broadcast_in_dim3A_36 {add = true} : memref<256xf32, #tpu.memory_space<vmem>>[vector<16xi32>], vector<16xf32>,
    %get3A_416 = arith.constant 1216 : index
    %get3A_417 = tpu.vector_load %arg4[%get3A_416] {strides = array<i32>} : memref<2048xi32, #tpu.memory_space<vmem>>, vector<16xi32>,
    %add3A_418 = arith.constant 128 : i32
    %add3A_419 = vector.broadcast %add3A_418 : i32 to vector<16xi32>
    %add3A_420 = arith.addi %get3A_417, %add3A_419 : vector<16xi32>
    tpu.vector_store_idx %arg5[%add3A_420], %broadcast_in_dim3A_36 {add = true} : memref<256xf32, #tpu.memory_space<vmem>>[vector<16xi32>], vector<16xf32>,
    %get3A_421 = arith.constant 1232 : index
    %get3A_422 = tpu.vector_load %arg4[%get3A_421] {strides = array<i32>} : memref<2048xi32, #tpu.memory_space<vmem>>, vector<16xi32>,
    %add3A_423 = arith.constant 128 : i32
    %add3A_424 = vector.broadcast %add3A_423 : i32 to vector<16xi32>
    %add3A_425 = arith.addi %get3A_422, %add3A_424 : vector<16xi32>
    tpu.vector_store_idx %arg5[%add3A_425], %broadcast_in_dim3A_36 {add = true} : memref<256xf32, #tpu.memory_space<vmem>>[vector<16xi32>], vector<16xf32>,
    %get3A_426 = arith.constant 1248 : index
    %get3A_427 = tpu.vector_load %arg4[%get3A_426] {strides = array<i32>} : memref<2048xi32, #tpu.memory_space<vmem>>, vector<16xi32>,
    %add3A_428 = arith.constant 128 : i32
    %add3A_429 = vector.broadcast %add3A_428 : i32 to vector<16xi32>
    %add3A_430 = arith.addi %get3A_427, %add3A_429 : vector<16xi32>
    tpu.vector_store_idx %arg5[%add3A_430], %broadcast_in_dim3A_36 {add = true} : memref<256xf32, #tpu.memory_space<vmem>>[vector<16xi32>], vector<16xf32>,
    %get3A_431 = arith.constant 1264 : index
    %get3A_432 = tpu.vector_load %arg4[%get3A_431] {strides = array<i32>} : memref<2048xi32, #tpu.memory_space<vmem>>, vector<16xi32>,
    %add3A_433 = arith.constant 128 : i32
    %add3A_434 = vector.broadcast %add3A_433 : i32 to vector<16xi32>
    %add3A_435 = arith.addi %get3A_432, %add3A_434 : vector<16xi32>
    tpu.vector_store_idx %arg5[%add3A_435], %broadcast_in_dim3A_36 {add = true} : memref<256xf32, #tpu.memory_space<vmem>>[vector<16xi32>], vector<16xf32>,
    %get3A_436 = arith.constant 1280 : index
    %get3A_437 = tpu.vector_load %arg4[%get3A_436] {strides = array<i32>} : memref<2048xi32, #tpu.memory_space<vmem>>, vector<16xi32>,
    %add3A_438 = arith.constant 128 : i32
    %add3A_439 = vector.broadcast %add3A_438 : i32 to vector<16xi32>
    %add3A_440 = arith.addi %get3A_437, %add3A_439 : vector<16xi32>
    tpu.vector_store_idx %arg5[%add3A_440], %broadcast_in_dim3A_36 {add = true} : memref<256xf32, #tpu.memory_space<vmem>>[vector<16xi32>], vector<16xf32>,
    %get3A_441 = arith.constant 1296 : index
    %get3A_442 = tpu.vector_load %arg4[%get3A_441] {strides = array<i32>} : memref<2048xi32, #tpu.memory_space<vmem>>, vector<16xi32>,
    %add3A_443 = arith.constant 128 : i32
    %add3A_444 = vector.broadcast %add3A_443 : i32 to vector<16xi32>
    %add3A_445 = arith.addi %get3A_442, %add3A_444 : vector<16xi32>
    tpu.vector_store_idx %arg5[%add3A_445], %broadcast_in_dim3A_36 {add = true} : memref<256xf32, #tpu.memory_space<vmem>>[vector<16xi32>], vector<16xf32>,
    %get3A_446 = arith.constant 1312 : index
    %get3A_447 = tpu.vector_load %arg4[%get3A_446] {strides = array<i32>} : memref<2048xi32, #tpu.memory_space<vmem>>, vector<16xi32>,
    %add3A_448 = arith.constant 128 : i32
    %add3A_449 = vector.broadcast %add3A_448 : i32 to vector<16xi32>
    %add3A_450 = arith.addi %get3A_447, %add3A_449 : vector<16xi32>
    tpu.vector_store_idx %arg5[%add3A_450], %broadcast_in_dim3A_36 {add = true} : memref<256xf32, #tpu.memory_space<vmem>>[vector<16xi32>], vector<16xf32>,
    %get3A_451 = arith.constant 1328 : index
    %get3A_452 = tpu.vector_load %arg4[%get3A_451] {strides = array<i32>} : memref<2048xi32, #tpu.memory_space<vmem>>, vector<16xi32>,
    %add3A_453 = arith.constant 128 : i32
    %add3A_454 = vector.broadcast %add3A_453 : i32 to vector<16xi32>
    %add3A_455 = arith.addi %get3A_452, %add3A_454 : vector<16xi32>
    tpu.vector_store_idx %arg5[%add3A_455], %broadcast_in_dim3A_36 {add = true} : memref<256xf32, #tpu.memory_space<vmem>>[vector<16xi32>], vector<16xf32>,
    %get3A_456 = arith.constant 1344 : index
    %get3A_457 = tpu.vector_load %arg4[%get3A_456] {strides = array<i32>} : memref<2048xi32, #tpu.memory_space<vmem>>, vector<16xi32>,
    %add3A_458 = arith.constant 128 : i32
    %add3A_459 = vector.broadcast %add3A_458 : i32 to vector<16xi32>
    %add3A_460 = arith.addi %get3A_457, %add3A_459 : vector<16xi32>
    tpu.vector_store_idx %arg5[%add3A_460], %broadcast_in_dim3A_36 {add = true} : memref<256xf32, #tpu.memory_space<vmem>>[vector<16xi32>], vector<16xf32>,
    %get3A_461 = arith.constant 1360 : index
    %get3A_462 = tpu.vector_load %arg4[%get3A_461] {strides = array<i32>} : memref<2048xi32, #tpu.memory_space<vmem>>, vector<16xi32>,
    %add3A_463 = arith.constant 128 : i32
    %add3A_464 = vector.broadcast %add3A_463 : i32 to vector<16xi32>
    %add3A_465 = arith.addi %get3A_462, %add3A_464 : vector<16xi32>
    tpu.vector_store_idx %arg5[%add3A_465], %broadcast_in_dim3A_36 {add = true} : memref<256xf32, #tpu.memory_space<vmem>>[vector<16xi32>], vector<16xf32>,
    %get3A_466 = arith.constant 1376 : index
    %get3A_467 = tpu.vector_load %arg4[%get3A_466] {strides = array<i32>} : memref<2048xi32, #tpu.memory_space<vmem>>, vector<16xi32>,
    %add3A_468 = arith.constant 128 : i32
    %add3A_469 = vector.broadcast %add3A_468 : i32 to vector<16xi32>
    %add3A_470 = arith.addi %get3A_467, %add3A_469 : vector<16xi32>
    tpu.vector_store_idx %arg5[%add3A_470], %broadcast_in_dim3A_36 {add = true} : memref<256xf32, #tpu.memory_space<vmem>>[vector<16xi32>], vector<16xf32>,
    %get3A_471 = arith.constant 1392 : index
    %get3A_472 = tpu.vector_load %arg4[%get3A_471] {strides = array<i32>} : memref<2048xi32, #tpu.memory_space<vmem>>, vector<16xi32>,
    %add3A_473 = arith.constant 128 : i32
    %add3A_474 = vector.broadcast %add3A_473 : i32 to vector<16xi32>
    %add3A_475 = arith.addi %get3A_472, %add3A_474 : vector<16xi32>
    tpu.vector_store_idx %arg5[%add3A_475], %broadcast_in_dim3A_36 {add = true} : memref<256xf32, #tpu.memory_space<vmem>>[vector<16xi32>], vector<16xf32>,
    %get3A_476 = arith.constant 1408 : index
    %get3A_477 = tpu.vector_load %arg4[%get3A_476] {strides = array<i32>} : memref<2048xi32, #tpu.memory_space<vmem>>, vector<16xi32>,
    %add3A_478 = arith.constant 128 : i32
    %add3A_479 = vector.broadcast %add3A_478 : i32 to vector<16xi32>
    %add3A_480 = arith.addi %get3A_477, %add3A_479 : vector<16xi32>
    tpu.vector_store_idx %arg5[%add3A_480], %broadcast_in_dim3A_36 {add = true} : memref<256xf32, #tpu.memory_space<vmem>>[vector<16xi32>], vector<16xf32>,
    %get3A_481 = arith.constant 1424 : index
    %get3A_482 = tpu.vector_load %arg4[%get3A_481] {strides = array<i32>} : memref<2048xi32, #tpu.memory_space<vmem>>, vector<16xi32>,
    %add3A_483 = arith.constant 128 : i32
    %add3A_484 = vector.broadcast %add3A_483 : i32 to vector<16xi32>
    %add3A_485 = arith.addi %get3A_482, %add3A_484 : vector<16xi32>
    tpu.vector_store_idx %arg5[%add3A_485], %broadcast_in_dim3A_36 {add = true} : memref<256xf32, #tpu.memory_space<vmem>>[vector<16xi32>], vector<16xf32>,
    %get3A_486 = arith.constant 1440 : index
    %get3A_487 = tpu.vector_load %arg4[%get3A_486] {strides = array<i32>} : memref<2048xi32, #tpu.memory_space<vmem>>, vector<16xi32>,
    %add3A_488 = arith.constant 128 : i32
    %add3A_489 = vector.broadcast %add3A_488 : i32 to vector<16xi32>
    %add3A_490 = arith.addi %get3A_487, %add3A_489 : vector<16xi32>
    tpu.vector_store_idx %arg5[%add3A_490], %broadcast_in_dim3A_36 {add = true} : memref<256xf32, #tpu.memory_space<vmem>>[vector<16xi32>], vector<16xf32>,
    %get3A_491 = arith.constant 1456 : index
    %get3A_492 = tpu.vector_load %arg4[%get3A_491] {strides = array<i32>} : memref<2048xi32, #tpu.memory_space<vmem>>, vector<16xi32>,
    %add3A_493 = arith.constant 128 : i32
    %add3A_494 = vector.broadcast %add3A_493 : i32 to vector<16xi32>
    %add3A_495 = arith.addi %get3A_492, %add3A_494 : vector<16xi32>
    tpu.vector_store_idx %arg5[%add3A_495], %broadcast_in_dim3A_36 {add = true} : memref<256xf32, #tpu.memory_space<vmem>>[vector<16xi32>], vector<16xf32>,
    %get3A_496 = arith.constant 1472 : index
    %get3A_497 = tpu.vector_load %arg4[%get3A_496] {strides = array<i32>} : memref<2048xi32, #tpu.memory_space<vmem>>, vector<16xi32>,
    %add3A_498 = arith.constant 128 : i32
    %add3A_499 = vector.broadcast %add3A_498 : i32 to vector<16xi32>
    %add3A_500 = arith.addi %get3A_497, %add3A_499 : vector<16xi32>
    tpu.vector_store_idx %arg5[%add3A_500], %broadcast_in_dim3A_36 {add = true} : memref<256xf32, #tpu.memory_space<vmem>>[vector<16xi32>], vector<16xf32>,
    %get3A_501 = arith.constant 1488 : index
    %get3A_502 = tpu.vector_load %arg4[%get3A_501] {strides = array<i32>} : memref<2048xi32, #tpu.memory_space<vmem>>, vector<16xi32>,
    %add3A_503 = arith.constant 128 : i32
    %add3A_504 = vector.broadcast %add3A_503 : i32 to vector<16xi32>
    %add3A_505 = arith.addi %get3A_502, %add3A_504 : vector<16xi32>
    tpu.vector_store_idx %arg5[%add3A_505], %broadcast_in_dim3A_36 {add = true} : memref<256xf32, #tpu.memory_space<vmem>>[vector<16xi32>], vector<16xf32>,
    %get3A_506 = arith.constant 1504 : index
    %get3A_507 = tpu.vector_load %arg4[%get3A_506] {strides = array<i32>} : memref<2048xi32, #tpu.memory_space<vmem>>, vector<16xi32>,
    %add3A_508 = arith.constant 128 : i32
    %add3A_509 = vector.broadcast %add3A_508 : i32 to vector<16xi32>
    %add3A_510 = arith.addi %get3A_507, %add3A_509 : vector<16xi32>
    tpu.vector_store_idx %arg5[%add3A_510], %broadcast_in_dim3A_36 {add = true} : memref<256xf32, #tpu.memory_space<vmem>>[vector<16xi32>], vector<16xf32>,
    %get3A_511 = arith.constant 1520 : index
    %get3A_512 = tpu.vector_load %arg4[%get3A_511] {strides = array<i32>} : memref<2048xi32, #tpu.memory_space<vmem>>, vector<16xi32>,
    %add3A_513 = arith.constant 128 : i32
    %add3A_514 = vector.broadcast %add3A_513 : i32 to vector<16xi32>
    %add3A_515 = arith.addi %get3A_512, %add3A_514 : vector<16xi32>
    tpu.vector_store_idx %arg5[%add3A_515], %broadcast_in_dim3A_36 {add = true} : memref<256xf32, #tpu.memory_space<vmem>>[vector<16xi32>], vector<16xf32>,
    %get3A_516 = arith.constant 1536 : index
    %get3A_517 = tpu.vector_load %arg4[%get3A_516] {strides = array<i32>} : memref<2048xi32, #tpu.memory_space<vmem>>, vector<16xi32>,
    %add3A_518 = arith.constant 192 : i32
    %add3A_519 = vector.broadcast %add3A_518 : i32 to vector<16xi32>
    %add3A_520 = arith.addi %get3A_517, %add3A_519 : vector<16xi32>
    tpu.vector_store_idx %arg5[%add3A_520], %broadcast_in_dim3A_36 {add = true} : memref<256xf32, #tpu.memory_space<vmem>>[vector<16xi32>], vector<16xf32>,
    %get3A_521 = arith.constant 1552 : index
    %get3A_522 = tpu.vector_load %arg4[%get3A_521] {strides = array<i32>} : memref<2048xi32, #tpu.memory_space<vmem>>, vector<16xi32>,
    %add3A_523 = arith.constant 192 : i32
    %add3A_524 = vector.broadcast %add3A_523 : i32 to vector<16xi32>
    %add3A_525 = arith.addi %get3A_522, %add3A_524 : vector<16xi32>
    tpu.vector_store_idx %arg5[%add3A_525], %broadcast_in_dim3A_36 {add = true} : memref<256xf32, #tpu.memory_space<vmem>>[vector<16xi32>], vector<16xf32>,
    %get3A_526 = arith.constant 1568 : index
    %get3A_527 = tpu.vector_load %arg4[%get3A_526] {strides = array<i32>} : memref<2048xi32, #tpu.memory_space<vmem>>, vector<16xi32>,
    %add3A_528 = arith.constant 192 : i32
    %add3A_529 = vector.broadcast %add3A_528 : i32 to vector<16xi32>
    %add3A_530 = arith.addi %get3A_527, %add3A_529 : vector<16xi32>
    tpu.vector_store_idx %arg5[%add3A_530], %broadcast_in_dim3A_36 {add = true} : memref<256xf32, #tpu.memory_space<vmem>>[vector<16xi32>], vector<16xf32>,
    %get3A_531 = arith.constant 1584 : index
    %get3A_532 = tpu.vector_load %arg4[%get3A_531] {strides = array<i32>} : memref<2048xi32, #tpu.memory_space<vmem>>, vector<16xi32>,
    %add3A_533 = arith.constant 192 : i32
    %add3A_534 = vector.broadcast %add3A_533 : i32 to vector<16xi32>
    %add3A_535 = arith.addi %get3A_532, %add3A_534 : vector<16xi32>
    tpu.vector_store_idx %arg5[%add3A_535], %broadcast_in_dim3A_36 {add = true} : memref<256xf32, #tpu.memory_space<vmem>>[vector<16xi32>], vector<16xf32>,
    %get3A_536 = arith.constant 1600 : index
    %get3A_537 = tpu.vector_load %arg4[%get3A_536] {strides = array<i32>} : memref<2048xi32, #tpu.memory_space<vmem>>, vector<16xi32>,
    %add3A_538 = arith.constant 192 : i32
    %add3A_539 = vector.broadcast %add3A_538 : i32 to vector<16xi32>
    %add3A_540 = arith.addi %get3A_537, %add3A_539 : vector<16xi32>
    tpu.vector_store_idx %arg5[%add3A_540], %broadcast_in_dim3A_36 {add = true} : memref<256xf32, #tpu.memory_space<vmem>>[vector<16xi32>], vector<16xf32>,
    %get3A_541 = arith.constant 1616 : index
    %get3A_542 = tpu.vector_load %arg4[%get3A_541] {strides = array<i32>} : memref<2048xi32, #tpu.memory_space<vmem>>, vector<16xi32>,
    %add3A_543 = arith.constant 192 : i32
    %add3A_544 = vector.broadcast %add3A_543 : i32 to vector<16xi32>
    %add3A_545 = arith.addi %get3A_542, %add3A_544 : vector<16xi32>
    tpu.vector_store_idx %arg5[%add3A_545], %broadcast_in_dim3A_36 {add = true} : memref<256xf32, #tpu.memory_space<vmem>>[vector<16xi32>], vector<16xf32>,
    %get3A_546 = arith.constant 1632 : index
    %get3A_547 = tpu.vector_load %arg4[%get3A_546] {strides = array<i32>} : memref<2048xi32, #tpu.memory_space<vmem>>, vector<16xi32>,
    %add3A_548 = arith.constant 192 : i32
    %add3A_549 = vector.broadcast %add3A_548 : i32 to vector<16xi32>
    %add3A_550 = arith.addi %get3A_547, %add3A_549 : vector<16xi32>
    tpu.vector_store_idx %arg5[%add3A_550], %broadcast_in_dim3A_36 {add = true} : memref<256xf32, #tpu.memory_space<vmem>>[vector<16xi32>], vector<16xf32>,
    %get3A_551 = arith.constant 1648 : index
    %get3A_552 = tpu.vector_load %arg4[%get3A_551] {strides = array<i32>} : memref<2048xi32, #tpu.memory_space<vmem>>, vector<16xi32>,
    %add3A_553 = arith.constant 192 : i32
    %add3A_554 = vector.broadcast %add3A_553 : i32 to vector<16xi32>
    %add3A_555 = arith.addi %get3A_552, %add3A_554 : vector<16xi32>
    tpu.vector_store_idx %arg5[%add3A_555], %broadcast_in_dim3A_36 {add = true} : memref<256xf32, #tpu.memory_space<vmem>>[vector<16xi32>], vector<16xf32>,
    %get3A_556 = arith.constant 1664 : index
    %get3A_557 = tpu.vector_load %arg4[%get3A_556] {strides = array<i32>} : memref<2048xi32, #tpu.memory_space<vmem>>, vector<16xi32>,
    %add3A_558 = arith.constant 192 : i32
    %add3A_559 = vector.broadcast %add3A_558 : i32 to vector<16xi32>
    %add3A_560 = arith.addi %get3A_557, %add3A_559 : vector<16xi32>
    tpu.vector_store_idx %arg5[%add3A_560], %broadcast_in_dim3A_36 {add = true} : memref<256xf32, #tpu.memory_space<vmem>>[vector<16xi32>], vector<16xf32>,
    %get3A_561 = arith.constant 1680 : index
    %get3A_562 = tpu.vector_load %arg4[%get3A_561] {strides = array<i32>} : memref<2048xi32, #tpu.memory_space<vmem>>, vector<16xi32>,
    %add3A_563 = arith.constant 192 : i32
    %add3A_564 = vector.broadcast %add3A_563 : i32 to vector<16xi32>
    %add3A_565 = arith.addi %get3A_562, %add3A_564 : vector<16xi32>
    tpu.vector_store_idx %arg5[%add3A_565], %broadcast_in_dim3A_36 {add = true} : memref<256xf32, #tpu.memory_space<vmem>>[vector<16xi32>], vector<16xf32>,
    %get3A_566 = arith.constant 1696 : index
    %get3A_567 = tpu.vector_load %arg4[%get3A_566] {strides = array<i32>} : memref<2048xi32, #tpu.memory_space<vmem>>, vector<16xi32>,
    %add3A_568 = arith.constant 192 : i32
    %add3A_569 = vector.broadcast %add3A_568 : i32 to vector<16xi32>
    %add3A_570 = arith.addi %get3A_567, %add3A_569 : vector<16xi32>
    tpu.vector_store_idx %arg5[%add3A_570], %broadcast_in_dim3A_36 {add = true} : memref<256xf32, #tpu.memory_space<vmem>>[vector<16xi32>], vector<16xf32>,
    %get3A_571 = arith.constant 1712 : index
    %get3A_572 = tpu.vector_load %arg4[%get3A_571] {strides = array<i32>} : memref<2048xi32, #tpu.memory_space<vmem>>, vector<16xi32>,
    %add3A_573 = arith.constant 192 : i32
    %add3A_574 = vector.broadcast %add3A_573 : i32 to vector<16xi32>
    %add3A_575 = arith.addi %get3A_572, %add3A_574 : vector<16xi32>
    tpu.vector_store_idx %arg5[%add3A_575], %broadcast_in_dim3A_36 {add = true} : memref<256xf32, #tpu.memory_space<vmem>>[vector<16xi32>], vector<16xf32>,
    %get3A_576 = arith.constant 1728 : index
    %get3A_577 = tpu.vector_load %arg4[%get3A_576] {strides = array<i32>} : memref<2048xi32, #tpu.memory_space<vmem>>, vector<16xi32>,
    %add3A_578 = arith.constant 192 : i32
    %add3A_579 = vector.broadcast %add3A_578 : i32 to vector<16xi32>
    %add3A_580 = arith.addi %get3A_577, %add3A_579 : vector<16xi32>
    tpu.vector_store_idx %arg5[%add3A_580], %broadcast_in_dim3A_36 {add = true} : memref<256xf32, #tpu.memory_space<vmem>>[vector<16xi32>], vector<16xf32>,
    %get3A_581 = arith.constant 1744 : index
    %get3A_582 = tpu.vector_load %arg4[%get3A_581] {strides = array<i32>} : memref<2048xi32, #tpu.memory_space<vmem>>, vector<16xi32>,
    %add3A_583 = arith.constant 192 : i32
    %add3A_584 = vector.broadcast %add3A_583 : i32 to vector<16xi32>
    %add3A_585 = arith.addi %get3A_582, %add3A_584 : vector<16xi32>
    tpu.vector_store_idx %arg5[%add3A_585], %broadcast_in_dim3A_36 {add = true} : memref<256xf32, #tpu.memory_space<vmem>>[vector<16xi32>], vector<16xf32>,
    %get3A_586 = arith.constant 1760 : index
    %get3A_587 = tpu.vector_load %arg4[%get3A_586] {strides = array<i32>} : memref<2048xi32, #tpu.memory_space<vmem>>, vector<16xi32>,
    %add3A_588 = arith.constant 192 : i32
    %add3A_589 = vector.broadcast %add3A_588 : i32 to vector<16xi32>
    %add3A_590 = arith.addi %get3A_587, %add3A_589 : vector<16xi32>
    tpu.vector_store_idx %arg5[%add3A_590], %broadcast_in_dim3A_36 {add = true} : memref<256xf32, #tpu.memory_space<vmem>>[vector<16xi32>], vector<16xf32>,
    %get3A_591 = arith.constant 1776 : index
    %get3A_592 = tpu.vector_load %arg4[%get3A_591] {strides = array<i32>} : memref<2048xi32, #tpu.memory_space<vmem>>, vector<16xi32>,
    %add3A_593 = arith.constant 192 : i32
    %add3A_594 = vector.broadcast %add3A_593 : i32 to vector<16xi32>
    %add3A_595 = arith.addi %get3A_592, %add3A_594 : vector<16xi32>
    tpu.vector_store_idx %arg5[%add3A_595], %broadcast_in_dim3A_36 {add = true} : memref<256xf32, #tpu.memory_space<vmem>>[vector<16xi32>], vector<16xf32>,
    %get3A_596 = arith.constant 1792 : index
    %get3A_597 = tpu.vector_load %arg4[%get3A_596] {strides = array<i32>} : memref<2048xi32, #tpu.memory_space<vmem>>, vector<16xi32>,
    %add3A_598 = arith.constant 192 : i32
    %add3A_599 = vector.broadcast %add3A_598 : i32 to vector<16xi32>
    %add3A_600 = arith.addi %get3A_597, %add3A_599 : vector<16xi32>
    tpu.vector_store_idx %arg5[%add3A_600], %broadcast_in_dim3A_36 {add = true} : memref<256xf32, #tpu.memory_space<vmem>>[vector<16xi32>], vector<16xf32>,
    %get3A_601 = arith.constant 1808 : index
    %get3A_602 = tpu.vector_load %arg4[%get3A_601] {strides = array<i32>} : memref<2048xi32, #tpu.memory_space<vmem>>, vector<16xi32>,
    %add3A_603 = arith.constant 192 : i32
    %add3A_604 = vector.broadcast %add3A_603 : i32 to vector<16xi32>
    %add3A_605 = arith.addi %get3A_602, %add3A_604 : vector<16xi32>
    tpu.vector_store_idx %arg5[%add3A_605], %broadcast_in_dim3A_36 {add = true} : memref<256xf32, #tpu.memory_space<vmem>>[vector<16xi32>], vector<16xf32>,
    %get3A_606 = arith.constant 1824 : index
    %get3A_607 = tpu.vector_load %arg4[%get3A_606] {strides = array<i32>} : memref<2048xi32, #tpu.memory_space<vmem>>, vector<16xi32>,
    %add3A_608 = arith.constant 192 : i32
    %add3A_609 = vector.broadcast %add3A_608 : i32 to vector<16xi32>
    %add3A_610 = arith.addi %get3A_607, %add3A_609 : vector<16xi32>
    tpu.vector_store_idx %arg5[%add3A_610], %broadcast_in_dim3A_36 {add = true} : memref<256xf32, #tpu.memory_space<vmem>>[vector<16xi32>], vector<16xf32>,
    %get3A_611 = arith.constant 1840 : index
    %get3A_612 = tpu.vector_load %arg4[%get3A_611] {strides = array<i32>} : memref<2048xi32, #tpu.memory_space<vmem>>, vector<16xi32>,
    %add3A_613 = arith.constant 192 : i32
    %add3A_614 = vector.broadcast %add3A_613 : i32 to vector<16xi32>
    %add3A_615 = arith.addi %get3A_612, %add3A_614 : vector<16xi32>
    tpu.vector_store_idx %arg5[%add3A_615], %broadcast_in_dim3A_36 {add = true} : memref<256xf32, #tpu.memory_space<vmem>>[vector<16xi32>], vector<16xf32>,
    %get3A_616 = arith.constant 1856 : index
    %get3A_617 = tpu.vector_load %arg4[%get3A_616] {strides = array<i32>} : memref<2048xi32, #tpu.memory_space<vmem>>, vector<16xi32>,
    %add3A_618 = arith.constant 192 : i32
    %add3A_619 = vector.broadcast %add3A_618 : i32 to vector<16xi32>
    %add3A_620 = arith.addi %get3A_617, %add3A_619 : vector<16xi32>
    tpu.vector_store_idx %arg5[%add3A_620], %broadcast_in_dim3A_36 {add = true} : memref<256xf32, #tpu.memory_space<vmem>>[vector<16xi32>], vector<16xf32>,
    %get3A_621 = arith.constant 1872 : index
    %get3A_622 = tpu.vector_load %arg4[%get3A_621] {strides = array<i32>} : memref<2048xi32, #tpu.memory_space<vmem>>, vector<16xi32>,
    %add3A_623 = arith.constant 192 : i32
    %add3A_624 = vector.broadcast %add3A_623 : i32 to vector<16xi32>
    %add3A_625 = arith.addi %get3A_622, %add3A_624 : vector<16xi32>
    tpu.vector_store_idx %arg5[%add3A_625], %broadcast_in_dim3A_36 {add = true} : memref<256xf32, #tpu.memory_space<vmem>>[vector<16xi32>], vector<16xf32>,
    %get3A_626 = arith.constant 1888 : index
    %get3A_627 = tpu.vector_load %arg4[%get3A_626] {strides = array<i32>} : memref<2048xi32, #tpu.memory_space<vmem>>, vector<16xi32>,
    %add3A_628 = arith.constant 192 : i32
    %add3A_629 = vector.broadcast %add3A_628 : i32 to vector<16xi32>
    %add3A_630 = arith.addi %get3A_627, %add3A_629 : vector<16xi32>
    tpu.vector_store_idx %arg5[%add3A_630], %broadcast_in_dim3A_36 {add = true} : memref<256xf32, #tpu.memory_space<vmem>>[vector<16xi32>], vector<16xf32>,
    %get3A_631 = arith.constant 1904 : index
    %get3A_632 = tpu.vector_load %arg4[%get3A_631] {strides = array<i32>} : memref<2048xi32, #tpu.memory_space<vmem>>, vector<16xi32>,
    %add3A_633 = arith.constant 192 : i32
    %add3A_634 = vector.broadcast %add3A_633 : i32 to vector<16xi32>
    %add3A_635 = arith.addi %get3A_632, %add3A_634 : vector<16xi32>
    tpu.vector_store_idx %arg5[%add3A_635], %broadcast_in_dim3A_36 {add = true} : memref<256xf32, #tpu.memory_space<vmem>>[vector<16xi32>], vector<16xf32>,
    %get3A_636 = arith.constant 1920 : index
    %get3A_637 = tpu.vector_load %arg4[%get3A_636] {strides = array<i32>} : memref<2048xi32, #tpu.memory_space<vmem>>, vector<16xi32>,
    %add3A_638 = arith.constant 192 : i32
    %add3A_639 = vector.broadcast %add3A_638 : i32 to vector<16xi32>
    %add3A_640 = arith.addi %get3A_637, %add3A_639 : vector<16xi32>
    tpu.vector_store_idx %arg5[%add3A_640], %broadcast_in_dim3A_36 {add = true} : memref<256xf32, #tpu.memory_space<vmem>>[vector<16xi32>], vector<16xf32>,
    %get3A_641 = arith.constant 1936 : index
    %get3A_642 = tpu.vector_load %arg4[%get3A_641] {strides = array<i32>} : memref<2048xi32, #tpu.memory_space<vmem>>, vector<16xi32>,
    %add3A_643 = arith.constant 192 : i32
    %add3A_644 = vector.broadcast %add3A_643 : i32 to vector<16xi32>
    %add3A_645 = arith.addi %get3A_642, %add3A_644 : vector<16xi32>
    tpu.vector_store_idx %arg5[%add3A_645], %broadcast_in_dim3A_36 {add = true} : memref<256xf32, #tpu.memory_space<vmem>>[vector<16xi32>], vector<16xf32>,
    %get3A_646 = arith.constant 1952 : index
    %get3A_647 = tpu.vector_load %arg4[%get3A_646] {strides = array<i32>} : memref<2048xi32, #tpu.memory_space<vmem>>, vector<16xi32>,
    %add3A_648 = arith.constant 192 : i32
    %add3A_649 = vector.broadcast %add3A_648 : i32 to vector<16xi32>
    %add3A_650 = arith.addi %get3A_647, %add3A_649 : vector<16xi32>
    tpu.vector_store_idx %arg5[%add3A_650], %broadcast_in_dim3A_36 {add = true} : memref<256xf32, #tpu.memory_space<vmem>>[vector<16xi32>], vector<16xf32>,
    %get3A_651 = arith.constant 1968 : index
    %get3A_652 = tpu.vector_load %arg4[%get3A_651] {strides = array<i32>} : memref<2048xi32, #tpu.memory_space<vmem>>, vector<16xi32>,
    %add3A_653 = arith.constant 192 : i32
    %add3A_654 = vector.broadcast %add3A_653 : i32 to vector<16xi32>
    %add3A_655 = arith.addi %get3A_652, %add3A_654 : vector<16xi32>
    tpu.vector_store_idx %arg5[%add3A_655], %broadcast_in_dim3A_36 {add = true} : memref<256xf32, #tpu.memory_space<vmem>>[vector<16xi32>], vector<16xf32>,
    %get3A_656 = arith.constant 1984 : index
    %get3A_657 = tpu.vector_load %arg4[%get3A_656] {strides = array<i32>} : memref<2048xi32, #tpu.memory_space<vmem>>, vector<16xi32>,
    %add3A_658 = arith.constant 192 : i32
    %add3A_659 = vector.broadcast %add3A_658 : i32 to vector<16xi32>
    %add3A_660 = arith.addi %get3A_657, %add3A_659 : vector<16xi32>
    tpu.vector_store_idx %arg5[%add3A_660], %broadcast_in_dim3A_36 {add = true} : memref<256xf32, #tpu.memory_space<vmem>>[vector<16xi32>], vector<16xf32>,
    %get3A_661 = arith.constant 2000 : index
    %get3A_662 = tpu.vector_load %arg4[%get3A_661] {strides = array<i32>} : memref<2048xi32, #tpu.memory_space<vmem>>, vector<16xi32>,
    %add3A_663 = arith.constant 192 : i32
    %add3A_664 = vector.broadcast %add3A_663 : i32 to vector<16xi32>
    %add3A_665 = arith.addi %get3A_662, %add3A_664 : vector<16xi32>
    tpu.vector_store_idx %arg5[%add3A_665], %broadcast_in_dim3A_36 {add = true} : memref<256xf32, #tpu.memory_space<vmem>>[vector<16xi32>], vector<16xf32>,
    %get3A_666 = arith.constant 2016 : index
    %get3A_667 = tpu.vector_load %arg4[%get3A_666] {strides = array<i32>} : memref<2048xi32, #tpu.memory_space<vmem>>, vector<16xi32>,
    %add3A_668 = arith.constant 192 : i32
    %add3A_669 = vector.broadcast %add3A_668 : i32 to vector<16xi32>
    %add3A_670 = arith.addi %get3A_667, %add3A_669 : vector<16xi32>
    tpu.vector_store_idx %arg5[%add3A_670], %broadcast_in_dim3A_36 {add = true} : memref<256xf32, #tpu.memory_space<vmem>>[vector<16xi32>], vector<16xf32>,
    %get3A_671 = arith.constant 2032 : index
    %get3A_672 = tpu.vector_load %arg4[%get3A_671] {strides = array<i32>} : memref<2048xi32, #tpu.memory_space<vmem>>, vector<16xi32>,
    %add3A_673 = arith.constant 192 : i32
    %add3A_674 = vector.broadcast %add3A_673 : i32 to vector<16xi32>
    %add3A_675 = arith.addi %get3A_672, %add3A_674 : vector<16xi32>
    tpu.vector_store_idx %arg5[%add3A_675], %broadcast_in_dim3A_36 {add = true} : memref<256xf32, #tpu.memory_space<vmem>>[vector<16xi32>], vector<16xf32>,
    %mul3A_676 = arith.constant 4 : i32
    %mul3A_677 = arith.muli %add3A, %mul3A_676 : i32
    %mul3A_678 = arith.constant 64 : i32
    %mul3A_679 = arith.muli %mul3A_677, %mul3A_678 : i32
    "tpu.region"() ({
      %run_scoped3A = tpu.sem_alloc : memref<!tpu.dma_semaphore, #tpu.memory_space<semaphore_mem>>
      %dma_start3A = tpu.memref_slice %arg3[%mul3A_679] : memref<8192xf32, #tpu.memory_space<hbm>> -> memref<256xf32, #tpu.memory_space<hbm>>
      %dma_start3A_680 = tpu.memref_slice %arg3[%mul3A_679] : memref<8192xf32, #tpu.memory_space<hbm>> -> memref<256xf32, #tpu.memory_space<hbm>>
      tpu.enqueue_dma source(%arg5 : memref<256xf32, #tpu.memory_space<vmem>>) target(%dma_start3A_680 : memref<256xf32, #tpu.memory_space<hbm>>) target_semaphore(%run_scoped3A : memref<!tpu.dma_semaphore, #tpu.memory_space<semaphore_mem>>)
      %dma_wait3A = tpu.memref_slice %arg3[%mul3A_679] : memref<8192xf32, #tpu.memory_space<hbm>> -> memref<256xf32, #tpu.memory_space<hbm>>
      %dma_wait3A_681 = tpu.memref_slice %arg3[%mul3A_679] : memref<8192xf32, #tpu.memory_space<hbm>> -> memref<256xf32, #tpu.memory_space<hbm>>
      tpu.wait_dma2 semaphore(%run_scoped3A : memref<!tpu.dma_semaphore, #tpu.memory_space<semaphore_mem>>) src(%arg5 : memref<256xf32, #tpu.memory_space<vmem>>) dst(%dma_wait3A_681 : memref<256xf32, #tpu.memory_space<hbm>>)
      tpu.yield
    }) : () -> ()
    return
  }
}

module attributes {stable_mosaic.version = 14 : i64} {
  func.func @_step(%arg0: i32, %arg1: memref<32x64xf32, #tpu.memory_space<vmem>>, %arg2: memref<32x1xi32, #tpu.memory_space<vmem>>, %arg3: memref<32x1xi32, #tpu.memory_space<vmem>>, %arg4: memref<32x2048xf32, #tpu.memory_space<vmem>>, %arg5: memref<2048x64xf32, #tpu.memory_space<vmem>>, %arg6: memref<64x64xf32, #tpu.memory_space<vmem>>, %arg7: memref<64x32xf32, #tpu.memory_space<vmem>>, %arg8: memref<64x32xf32, #tpu.memory_space<vmem>>, %arg9: memref<64x32xf32, #tpu.memory_space<vmem>>, %arg10: memref<64x32xf32, #tpu.memory_space<vmem>>, %arg11: memref<64x32xf32, #tpu.memory_space<vmem>>, %arg12: memref<64x32xf32, #tpu.memory_space<vmem>>, %arg13: memref<1x32xf32, #tpu.memory_space<vmem>>, %arg14: memref<1x32xf32, #tpu.memory_space<vmem>>, %arg15: memref<1x32xf32, #tpu.memory_space<vmem>>, %arg16: memref<1x32xf32, #tpu.memory_space<vmem>>, %arg17: memref<1x32xf32, #tpu.memory_space<vmem>>, %arg18: memref<1x32xf32, #tpu.memory_space<vmem>>, %arg19: memref<32x64xf32, #tpu.memory_space<vmem>>, %arg20: memref<32x64xf32, #tpu.memory_space<vmem>>, %arg21: memref<1x64xf32, #tpu.memory_space<vmem>>, %arg22: memref<64x128xf32, #tpu.memory_space<vmem>>, %arg23: memref<1x128xf32, #tpu.memory_space<vmem>>, %arg24: memref<128x64xf32, #tpu.memory_space<vmem>>, %arg25: memref<1x64xf32, #tpu.memory_space<vmem>>, %arg26: memref<1x64xf32, #tpu.memory_space<vmem>>, %arg27: memref<1x64xf32, #tpu.memory_space<vmem>>, %arg28: memref<1x64xf32, #tpu.memory_space<vmem>>, %arg29: memref<1x64xf32, #tpu.memory_space<vmem>>, %arg30: memref<1x64xf32, #tpu.memory_space<vmem>>, %arg31: memref<64x64xf32, #tpu.memory_space<vmem>>, %arg32: memref<64x64xf32, #tpu.memory_space<vmem>>, %arg33: memref<1x64xf32, #tpu.memory_space<vmem>>, %arg34: memref<64x64xf32, #tpu.memory_space<vmem>>, %arg35: memref<1x64xf32, #tpu.memory_space<vmem>>, %arg36: memref<1x1xf32, #tpu.memory_space<vmem>>) attributes {dimension_semantics = [#tpu.dimension_semantics<arbitrary>], iteration_bounds = array<i64: 4>, scalar_prefetch = 0 : i64, scratch_operands = 0 : i64, tpu.core_type = #tpu.core_type<tc>, window_params = [{transform_indices = @transform_0, window_bounds = array<i64: 32, 64>}, {transform_indices = @transform_1, window_bounds = array<i64: 32, 1>}, {transform_indices = @transform_2, window_bounds = array<i64: 32, 1>}, {pipeline_mode = #tpu.pipeline_mode<synchronous>, transform_indices = @transform_3, window_bounds = array<i64: 32, 2048>}, {pipeline_mode = #tpu.pipeline_mode<synchronous>, transform_indices = @transform_4, window_bounds = array<i64: 2048, 64>}, {pipeline_mode = #tpu.pipeline_mode<synchronous>, transform_indices = @transform_5, window_bounds = array<i64: 64, 64>}, {pipeline_mode = #tpu.pipeline_mode<synchronous>, transform_indices = @transform_6, window_bounds = array<i64: 64, 32>}, {pipeline_mode = #tpu.pipeline_mode<synchronous>, transform_indices = @transform_7, window_bounds = array<i64: 64, 32>}, {pipeline_mode = #tpu.pipeline_mode<synchronous>, transform_indices = @transform_8, window_bounds = array<i64: 64, 32>}, {pipeline_mode = #tpu.pipeline_mode<synchronous>, transform_indices = @transform_9, window_bounds = array<i64: 64, 32>}, {pipeline_mode = #tpu.pipeline_mode<synchronous>, transform_indices = @transform_10, window_bounds = array<i64: 64, 32>}, {pipeline_mode = #tpu.pipeline_mode<synchronous>, transform_indices = @transform_11, window_bounds = array<i64: 64, 32>}, {pipeline_mode = #tpu.pipeline_mode<synchronous>, transform_indices = @transform_12, window_bounds = array<i64: 1, 32>}, {pipeline_mode = #tpu.pipeline_mode<synchronous>, transform_indices = @transform_13, window_bounds = array<i64: 1, 32>}, {pipeline_mode = #tpu.pipeline_mode<synchronous>, transform_indices = @transform_14, window_bounds = array<i64: 1, 32>}, {pipeline_mode = #tpu.pipeline_mode<synchronous>, transform_indices = @transform_15, window_bounds = array<i64: 1, 32>}, {pipeline_mode = #tpu.pipeline_mode<synchronous>, transform_indices = @transform_16, window_bounds = array<i64: 1, 32>}, {pipeline_mode = #tpu.pipeline_mode<synchronous>, transform_indices = @transform_17, window_bounds = array<i64: 1, 32>}, {pipeline_mode = #tpu.pipeline_mode<synchronous>, transform_indices = @transform_18, window_bounds = array<i64: 32, 64>}, {pipeline_mode = #tpu.pipeline_mode<synchronous>, transform_indices = @transform_19, window_bounds = array<i64: 32, 64>}, {pipeline_mode = #tpu.pipeline_mode<synchronous>, transform_indices = @transform_20, window_bounds = array<i64: 1, 64>}, {pipeline_mode = #tpu.pipeline_mode<synchronous>, transform_indices = @transform_21, window_bounds = array<i64: 64, 128>}, {pipeline_mode = #tpu.pipeline_mode<synchronous>, transform_indices = @transform_22, window_bounds = array<i64: 1, 128>}, {pipeline_mode = #tpu.pipeline_mode<synchronous>, transform_indices = @transform_23, window_bounds = array<i64: 128, 64>}, {pipeline_mode = #tpu.pipeline_mode<synchronous>, transform_indices = @transform_24, window_bounds = array<i64: 1, 64>}, {pipeline_mode = #tpu.pipeline_mode<synchronous>, transform_indices = @transform_25, window_bounds = array<i64: 1, 64>}, {pipeline_mode = #tpu.pipeline_mode<synchronous>, transform_indices = @transform_26, window_bounds = array<i64: 1, 64>}, {pipeline_mode = #tpu.pipeline_mode<synchronous>, transform_indices = @transform_27, window_bounds = array<i64: 1, 64>}, {pipeline_mode = #tpu.pipeline_mode<synchronous>, transform_indices = @transform_28, window_bounds = array<i64: 1, 64>}, {pipeline_mode = #tpu.pipeline_mode<synchronous>, transform_indices = @transform_29, window_bounds = array<i64: 1, 64>}, {pipeline_mode = #tpu.pipeline_mode<synchronous>, transform_indices = @transform_30, window_bounds = array<i64: 64, 64>}, {pipeline_mode = #tpu.pipeline_mode<synchronous>, transform_indices = @transform_31, window_bounds = array<i64: 64, 64>}, {pipeline_mode = #tpu.pipeline_mode<synchronous>, transform_indices = @transform_32, window_bounds = array<i64: 1, 64>}, {pipeline_mode = #tpu.pipeline_mode<synchronous>, transform_indices = @transform_33, window_bounds = array<i64: 64, 64>}, {pipeline_mode = #tpu.pipeline_mode<synchronous>, transform_indices = @transform_34, window_bounds = array<i64: 1, 64>}, {pipeline_mode = #tpu.pipeline_mode<synchronous>, transform_indices = @transform_35, window_bounds = array<i64: 1, 1>}]} {
    %eq3A = arith.constant 0 : i32
    %eq3A_0 = arith.cmpi eq, %arg0, %eq3A : i32
    %convert_element_type3A = arith.extui %eq3A_0 : i1 to i32
    %cond3A = arith.constant 0 : i32
    %cond3A_1 = arith.cmpi ne, %convert_element_type3A, %cond3A : i32
    scf.if %cond3A_1 {
      %broadcast_in_dim3A_344 = arith.constant 0.000000e+00 : f32
      %broadcast_in_dim3A_345 = vector.broadcast %broadcast_in_dim3A_344 : f32 to vector<1x1xf32>
      %swap3A_346 = arith.constant 0 : index
      %swap3A_347 = arith.constant 0 : index
      %swap3A_348 = vector.load %arg36[%swap3A_346, %swap3A_347] : memref<1x1xf32, #tpu.memory_space<vmem>>, vector<1x1xf32>
      tpu.vector_store %arg36[%swap3A_346, %swap3A_347], %broadcast_in_dim3A_345 {strides = array<i32>} : memref<1x1xf32, #tpu.memory_space<vmem>>, vector<1x1xf32>,
    } else {
    }
    %iota3A = tpu.iota {dimensions = array<i32: 1>} : vector<32x64xi32>
    %broadcast_in_dim3A = arith.constant 1.000000e+00 : f32
    %broadcast_in_dim3A_2 = vector.broadcast %broadcast_in_dim3A : f32 to vector<64x1xf32>
    %get3A = arith.constant 0 : index
    %get3A_3 = arith.constant 0 : index
    %get3A_4 = vector.load %arg5[%get3A, %get3A_3] : memref<2048x64xf32, #tpu.memory_space<vmem>>, vector<2048x64xf32>
    %get3A_5 = arith.constant 0 : index
    %get3A_6 = arith.constant 0 : index
    %get3A_7 = vector.load %arg4[%get3A_5, %get3A_6] : memref<32x2048xf32, #tpu.memory_space<vmem>>, vector<32x2048xf32>
    %get3A_8 = arith.constant 0 : index
    %get3A_9 = arith.constant 0 : index
    %get3A_10 = vector.load %arg1[%get3A_8, %get3A_9] : memref<32x64xf32, #tpu.memory_space<vmem>>, vector<32x64xf32>
    %reshape3A = vector.shape_cast %get3A_10 : vector<32x64xf32> to vector<32x1x64xf32>
    %broadcast_in_dim3A_11 = vector.shape_cast %reshape3A : vector<32x1x64xf32> to vector<32x1x64xf32>
    %broadcast_in_dim3A_12 = vector.broadcast %broadcast_in_dim3A_11 : vector<32x1x64xf32> to vector<32x64x64xf32>
    %reshape3A_13 = vector.shape_cast %broadcast_in_dim3A_12 : vector<32x64x64xf32> to vector<2048x64xf32>
    %mul3A = arith.mulf %reshape3A_13, %get3A_4 : vector<2048x64xf32>
    %dot_general3A = arith.constant dense<0.000000e+00> : vector<2048x1xf32>
    %dot_general3A_14 = tpu.matmul %mul3A, %broadcast_in_dim3A_2, %dot_general3A {dimension_numbers = #tpu.dot_dimension_numbers<[1], [0], [0], [1], [0, 0, 1, 1], [], []>, transpose_lhs_hint = false} : vector<2048x64xf32>, vector<64x1xf32>, vector<2048x1xf32> -> vector<2048x1xf32>
    %get3A_15 = arith.constant 0 : index
    %get3A_16 = arith.constant 0 : index
    %get3A_17 = vector.load %arg6[%get3A_15, %get3A_16] : memref<64x64xf32, #tpu.memory_space<vmem>>, vector<64x64xf32>
    %get3A_18 = arith.constant 0 : index
    %get3A_19 = arith.constant 0 : index
    %get3A_20 = vector.load %arg7[%get3A_18, %get3A_19] : memref<64x32xf32, #tpu.memory_space<vmem>>, vector<64x32xf32>
    %dot_general3A_21 = arith.constant dense<0.000000e+00> : vector<64x32xf32>
    %dot_general3A_22 = tpu.matmul %get3A_17, %get3A_20, %dot_general3A_21 {dimension_numbers = #tpu.dot_dimension_numbers<[1], [0], [0], [1], [0, 0, 1, 1], [], []>, transpose_lhs_hint = false} : vector<64x64xf32>, vector<64x32xf32>, vector<64x32xf32> -> vector<64x32xf32>
    %get3A_23 = arith.constant 0 : index
    %get3A_24 = arith.constant 0 : index
    %get3A_25 = vector.load %arg13[%get3A_23, %get3A_24] : memref<1x32xf32, #tpu.memory_space<vmem>>, vector<1x32xf32>
    %add3A = vector.broadcast %get3A_25 : vector<1x32xf32> to vector<64x32xf32>
    %add3A_26 = arith.addf %dot_general3A_22, %add3A : vector<64x32xf32>
    %get3A_27 = arith.constant 0 : index
    %get3A_28 = arith.constant 0 : index
    %get3A_29 = vector.load %arg9[%get3A_27, %get3A_28] : memref<64x32xf32, #tpu.memory_space<vmem>>, vector<64x32xf32>
    %dot_general3A_30 = arith.constant dense<0.000000e+00> : vector<64x32xf32>
    %dot_general3A_31 = tpu.matmul %get3A_17, %get3A_29, %dot_general3A_30 {dimension_numbers = #tpu.dot_dimension_numbers<[1], [0], [0], [1], [0, 0, 1, 1], [], []>, transpose_lhs_hint = false} : vector<64x64xf32>, vector<64x32xf32>, vector<64x32xf32> -> vector<64x32xf32>
    %get3A_32 = arith.constant 0 : index
    %get3A_33 = arith.constant 0 : index
    %get3A_34 = vector.load %arg15[%get3A_32, %get3A_33] : memref<1x32xf32, #tpu.memory_space<vmem>>, vector<1x32xf32>
    %add3A_35 = vector.broadcast %get3A_34 : vector<1x32xf32> to vector<64x32xf32>
    %add3A_36 = arith.addf %dot_general3A_31, %add3A_35 : vector<64x32xf32>
    %mul3A_37 = arith.constant 0.176776692 : f32
    %mul3A_38 = vector.broadcast %mul3A_37 : f32 to vector<64x32xf32>
    %mul3A_39 = arith.mulf %add3A_26, %mul3A_38 : vector<64x32xf32>
    %dot_general3A_40 = arith.constant dense<0.000000e+00> : vector<64x64xf32>
    %dot_general3A_41 = tpu.matmul %mul3A_39, %add3A_36, %dot_general3A_40 {dimension_numbers = #tpu.dot_dimension_numbers<[1], [1], [0], [0], [0, 0, 1, 0], [], []>, transpose_lhs_hint = false} : vector<64x32xf32>, vector<64x32xf32>, vector<64x64xf32> -> vector<64x64xf32>
    %exp3A = math.exp %dot_general3A_41 : vector<64x64xf32>
    %get3A_42 = arith.constant 0 : index
    %get3A_43 = arith.constant 0 : index
    %get3A_44 = vector.load %arg8[%get3A_42, %get3A_43] : memref<64x32xf32, #tpu.memory_space<vmem>>, vector<64x32xf32>
    %dot_general3A_45 = arith.constant dense<0.000000e+00> : vector<64x32xf32>
    %dot_general3A_46 = tpu.matmul %get3A_17, %get3A_44, %dot_general3A_45 {dimension_numbers = #tpu.dot_dimension_numbers<[1], [0], [0], [1], [0, 0, 1, 1], [], []>, transpose_lhs_hint = false} : vector<64x64xf32>, vector<64x32xf32>, vector<64x32xf32> -> vector<64x32xf32>
    %get3A_47 = arith.constant 0 : index
    %get3A_48 = arith.constant 0 : index
    %get3A_49 = vector.load %arg14[%get3A_47, %get3A_48] : memref<1x32xf32, #tpu.memory_space<vmem>>, vector<1x32xf32>
    %add3A_50 = vector.broadcast %get3A_49 : vector<1x32xf32> to vector<64x32xf32>
    %add3A_51 = arith.addf %dot_general3A_46, %add3A_50 : vector<64x32xf32>
    %get3A_52 = arith.constant 0 : index
    %get3A_53 = arith.constant 0 : index
    %get3A_54 = vector.load %arg10[%get3A_52, %get3A_53] : memref<64x32xf32, #tpu.memory_space<vmem>>, vector<64x32xf32>
    %dot_general3A_55 = arith.constant dense<0.000000e+00> : vector<64x32xf32>
    %dot_general3A_56 = tpu.matmul %get3A_17, %get3A_54, %dot_general3A_55 {dimension_numbers = #tpu.dot_dimension_numbers<[1], [0], [0], [1], [0, 0, 1, 1], [], []>, transpose_lhs_hint = false} : vector<64x64xf32>, vector<64x32xf32>, vector<64x32xf32> -> vector<64x32xf32>
    %get3A_57 = arith.constant 0 : index
    %get3A_58 = arith.constant 0 : index
    %get3A_59 = vector.load %arg16[%get3A_57, %get3A_58] : memref<1x32xf32, #tpu.memory_space<vmem>>, vector<1x32xf32>
    %add3A_60 = vector.broadcast %get3A_59 : vector<1x32xf32> to vector<64x32xf32>
    %add3A_61 = arith.addf %dot_general3A_56, %add3A_60 : vector<64x32xf32>
    %mul3A_62 = arith.constant 0.176776692 : f32
    %mul3A_63 = vector.broadcast %mul3A_62 : f32 to vector<64x32xf32>
    %mul3A_64 = arith.mulf %add3A_51, %mul3A_63 : vector<64x32xf32>
    %dot_general3A_65 = arith.constant dense<0.000000e+00> : vector<64x64xf32>
    %dot_general3A_66 = tpu.matmul %mul3A_64, %add3A_61, %dot_general3A_65 {dimension_numbers = #tpu.dot_dimension_numbers<[1], [1], [0], [0], [0, 0, 1, 0], [], []>, transpose_lhs_hint = false} : vector<64x32xf32>, vector<64x32xf32>, vector<64x64xf32> -> vector<64x64xf32>
    %exp3A_67 = math.exp %dot_general3A_66 : vector<64x64xf32>
    %get3A_68 = arith.constant 0 : index
    %get3A_69 = arith.constant 0 : index
    %get3A_70 = vector.load %arg11[%get3A_68, %get3A_69] : memref<64x32xf32, #tpu.memory_space<vmem>>, vector<64x32xf32>
    %dot_general3A_71 = arith.constant dense<0.000000e+00> : vector<64x32xf32>
    %dot_general3A_72 = tpu.matmul %get3A_17, %get3A_70, %dot_general3A_71 {dimension_numbers = #tpu.dot_dimension_numbers<[1], [0], [0], [1], [0, 0, 1, 1], [], []>, transpose_lhs_hint = false} : vector<64x64xf32>, vector<64x32xf32>, vector<64x32xf32> -> vector<64x32xf32>
    %get3A_73 = arith.constant 0 : index
    %get3A_74 = arith.constant 0 : index
    %get3A_75 = vector.load %arg17[%get3A_73, %get3A_74] : memref<1x32xf32, #tpu.memory_space<vmem>>, vector<1x32xf32>
    %add3A_76 = vector.broadcast %get3A_75 : vector<1x32xf32> to vector<64x32xf32>
    %add3A_77 = arith.addf %dot_general3A_72, %add3A_76 : vector<64x32xf32>
    %get3A_78 = arith.constant 0 : index
    %get3A_79 = arith.constant 0 : index
    %get3A_80 = vector.load %arg12[%get3A_78, %get3A_79] : memref<64x32xf32, #tpu.memory_space<vmem>>, vector<64x32xf32>
    %dot_general3A_81 = arith.constant dense<0.000000e+00> : vector<64x32xf32>
    %dot_general3A_82 = tpu.matmul %get3A_17, %get3A_80, %dot_general3A_81 {dimension_numbers = #tpu.dot_dimension_numbers<[1], [0], [0], [1], [0, 0, 1, 1], [], []>, transpose_lhs_hint = false} : vector<64x64xf32>, vector<64x32xf32>, vector<64x32xf32> -> vector<64x32xf32>
    %get3A_83 = arith.constant 0 : index
    %get3A_84 = arith.constant 0 : index
    %get3A_85 = vector.load %arg18[%get3A_83, %get3A_84] : memref<1x32xf32, #tpu.memory_space<vmem>>, vector<1x32xf32>
    %add3A_86 = vector.broadcast %get3A_85 : vector<1x32xf32> to vector<64x32xf32>
    %add3A_87 = arith.addf %dot_general3A_82, %add3A_86 : vector<64x32xf32>
    %concatenate3A = tpu.concatenate %exp3A, %exp3A, %exp3A, %exp3A, %exp3A, %exp3A, %exp3A, %exp3A, %exp3A, %exp3A, %exp3A, %exp3A, %exp3A, %exp3A, %exp3A, %exp3A, %exp3A, %exp3A, %exp3A, %exp3A, %exp3A, %exp3A, %exp3A, %exp3A, %exp3A, %exp3A, %exp3A, %exp3A, %exp3A, %exp3A, %exp3A, %exp3A in 0 : vector<64x64xf32>, vector<64x64xf32>, vector<64x64xf32>, vector<64x64xf32>, vector<64x64xf32>, vector<64x64xf32>, vector<64x64xf32>, vector<64x64xf32>, vector<64x64xf32>, vector<64x64xf32>, vector<64x64xf32>, vector<64x64xf32>, vector<64x64xf32>, vector<64x64xf32>, vector<64x64xf32>, vector<64x64xf32>, vector<64x64xf32>, vector<64x64xf32>, vector<64x64xf32>, vector<64x64xf32>, vector<64x64xf32>, vector<64x64xf32>, vector<64x64xf32>, vector<64x64xf32>, vector<64x64xf32>, vector<64x64xf32>, vector<64x64xf32>, vector<64x64xf32>, vector<64x64xf32>, vector<64x64xf32>, vector<64x64xf32>, vector<64x64xf32> -> vector<2048x64xf32>
    %mul3A_88 = arith.mulf %concatenate3A, %reshape3A_13 : vector<2048x64xf32>
    %dot_general3A_89 = arith.constant dense<0.000000e+00> : vector<2048x32xf32>
    %dot_general3A_90 = tpu.matmul %mul3A_88, %add3A_77, %dot_general3A_89 {dimension_numbers = #tpu.dot_dimension_numbers<[1], [0], [0], [1], [0, 0, 1, 1], [], []>, transpose_lhs_hint = false} : vector<2048x64xf32>, vector<64x32xf32>, vector<2048x32xf32> -> vector<2048x32xf32>
    %dot_general3A_91 = arith.constant dense<0.000000e+00> : vector<2048x1xf32>
    %dot_general3A_92 = tpu.matmul %mul3A_88, %broadcast_in_dim3A_2, %dot_general3A_91 {dimension_numbers = #tpu.dot_dimension_numbers<[1], [0], [0], [1], [0, 0, 1, 1], [], []>, transpose_lhs_hint = false} : vector<2048x64xf32>, vector<64x1xf32>, vector<2048x1xf32> -> vector<2048x1xf32>
    %div3A = arith.constant 1.000000e+00 : f32
    %div3A_93 = vector.broadcast %div3A : f32 to vector<2048x1xf32>
    %div3A_94 = arith.divf %div3A_93, %dot_general3A_92 : vector<2048x1xf32>
    %mul3A_95 = vector.broadcast %div3A_94 : vector<2048x1xf32> to vector<2048x32xf32>
    %mul3A_96 = arith.mulf %dot_general3A_90, %mul3A_95 : vector<2048x32xf32>
    %get3A_97 = arith.constant 0 : index
    %get3A_98 = arith.constant 0 : index
    %get3A_99 = vector.load %arg19[%get3A_97, %get3A_98] : memref<32x64xf32, #tpu.memory_space<vmem>>, vector<32x64xf32>
    %dot_general3A_100 = arith.constant dense<0.000000e+00> : vector<2048x64xf32>
    %dot_general3A_101 = tpu.matmul %mul3A_96, %get3A_99, %dot_general3A_100 {dimension_numbers = #tpu.dot_dimension_numbers<[1], [0], [0], [1], [0, 0, 1, 1], [], []>, transpose_lhs_hint = false} : vector<2048x32xf32>, vector<32x64xf32>, vector<2048x64xf32> -> vector<2048x64xf32>
    %concatenate3A_102 = tpu.concatenate %exp3A_67, %exp3A_67, %exp3A_67, %exp3A_67, %exp3A_67, %exp3A_67, %exp3A_67, %exp3A_67, %exp3A_67, %exp3A_67, %exp3A_67, %exp3A_67, %exp3A_67, %exp3A_67, %exp3A_67, %exp3A_67, %exp3A_67, %exp3A_67, %exp3A_67, %exp3A_67, %exp3A_67, %exp3A_67, %exp3A_67, %exp3A_67, %exp3A_67, %exp3A_67, %exp3A_67, %exp3A_67, %exp3A_67, %exp3A_67, %exp3A_67, %exp3A_67 in 0 : vector<64x64xf32>, vector<64x64xf32>, vector<64x64xf32>, vector<64x64xf32>, vector<64x64xf32>, vector<64x64xf32>, vector<64x64xf32>, vector<64x64xf32>, vector<64x64xf32>, vector<64x64xf32>, vector<64x64xf32>, vector<64x64xf32>, vector<64x64xf32>, vector<64x64xf32>, vector<64x64xf32>, vector<64x64xf32>, vector<64x64xf32>, vector<64x64xf32>, vector<64x64xf32>, vector<64x64xf32>, vector<64x64xf32>, vector<64x64xf32>, vector<64x64xf32>, vector<64x64xf32>, vector<64x64xf32>, vector<64x64xf32>, vector<64x64xf32>, vector<64x64xf32>, vector<64x64xf32>, vector<64x64xf32>, vector<64x64xf32>, vector<64x64xf32> -> vector<2048x64xf32>
    %mul3A_103 = arith.mulf %concatenate3A_102, %reshape3A_13 : vector<2048x64xf32>
    %dot_general3A_104 = arith.constant dense<0.000000e+00> : vector<2048x32xf32>
    %dot_general3A_105 = tpu.matmul %mul3A_103, %add3A_87, %dot_general3A_104 {dimension_numbers = #tpu.dot_dimension_numbers<[1], [0], [0], [1], [0, 0, 1, 1], [], []>, transpose_lhs_hint = false} : vector<2048x64xf32>, vector<64x32xf32>, vector<2048x32xf32> -> vector<2048x32xf32>
    %dot_general3A_106 = arith.constant dense<0.000000e+00> : vector<2048x1xf32>
    %dot_general3A_107 = tpu.matmul %mul3A_103, %broadcast_in_dim3A_2, %dot_general3A_106 {dimension_numbers = #tpu.dot_dimension_numbers<[1], [0], [0], [1], [0, 0, 1, 1], [], []>, transpose_lhs_hint = false} : vector<2048x64xf32>, vector<64x1xf32>, vector<2048x1xf32> -> vector<2048x1xf32>
    %div3A_108 = arith.constant 1.000000e+00 : f32
    %div3A_109 = vector.broadcast %div3A_108 : f32 to vector<2048x1xf32>
    %div3A_110 = arith.divf %div3A_109, %dot_general3A_107 : vector<2048x1xf32>
    %mul3A_111 = vector.broadcast %div3A_110 : vector<2048x1xf32> to vector<2048x32xf32>
    %mul3A_112 = arith.mulf %dot_general3A_105, %mul3A_111 : vector<2048x32xf32>
    %get3A_113 = arith.constant 0 : index
    %get3A_114 = arith.constant 0 : index
    %get3A_115 = vector.load %arg20[%get3A_113, %get3A_114] : memref<32x64xf32, #tpu.memory_space<vmem>>, vector<32x64xf32>
    %dot_general3A_116 = arith.constant dense<0.000000e+00> : vector<2048x64xf32>
    %dot_general3A_117 = tpu.matmul %mul3A_112, %get3A_115, %dot_general3A_116 {dimension_numbers = #tpu.dot_dimension_numbers<[1], [0], [0], [1], [0, 0, 1, 1], [], []>, transpose_lhs_hint = false} : vector<2048x32xf32>, vector<32x64xf32>, vector<2048x64xf32> -> vector<2048x64xf32>
    %add3A_118 = arith.addf %dot_general3A_101, %dot_general3A_117 : vector<2048x64xf32>
    %get3A_119 = arith.constant 0 : index
    %get3A_120 = arith.constant 0 : index
    %get3A_121 = vector.load %arg21[%get3A_119, %get3A_120] : memref<1x64xf32, #tpu.memory_space<vmem>>, vector<1x64xf32>
    %add3A_122 = vector.broadcast %get3A_121 : vector<1x64xf32> to vector<2048x64xf32>
    %add3A_123 = arith.addf %add3A_118, %add3A_122 : vector<2048x64xf32>
    %concatenate3A_124 = tpu.concatenate %get3A_17, %get3A_17, %get3A_17, %get3A_17, %get3A_17, %get3A_17, %get3A_17, %get3A_17, %get3A_17, %get3A_17, %get3A_17, %get3A_17, %get3A_17, %get3A_17, %get3A_17, %get3A_17, %get3A_17, %get3A_17, %get3A_17, %get3A_17, %get3A_17, %get3A_17, %get3A_17, %get3A_17, %get3A_17, %get3A_17, %get3A_17, %get3A_17, %get3A_17, %get3A_17, %get3A_17, %get3A_17 in 0 : vector<64x64xf32>, vector<64x64xf32>, vector<64x64xf32>, vector<64x64xf32>, vector<64x64xf32>, vector<64x64xf32>, vector<64x64xf32>, vector<64x64xf32>, vector<64x64xf32>, vector<64x64xf32>, vector<64x64xf32>, vector<64x64xf32>, vector<64x64xf32>, vector<64x64xf32>, vector<64x64xf32>, vector<64x64xf32>, vector<64x64xf32>, vector<64x64xf32>, vector<64x64xf32>, vector<64x64xf32>, vector<64x64xf32>, vector<64x64xf32>, vector<64x64xf32>, vector<64x64xf32>, vector<64x64xf32>, vector<64x64xf32>, vector<64x64xf32>, vector<64x64xf32>, vector<64x64xf32>, vector<64x64xf32>, vector<64x64xf32>, vector<64x64xf32> -> vector<2048x64xf32>
    %add3A_125 = arith.addf %concatenate3A_124, %add3A_123 : vector<2048x64xf32>
    %get3A_126 = arith.constant 0 : index
    %get3A_127 = arith.constant 0 : index
    %get3A_128 = vector.load %arg26[%get3A_126, %get3A_127] : memref<1x64xf32, #tpu.memory_space<vmem>>, vector<1x64xf32>
    %get3A_129 = arith.constant 0 : index
    %get3A_130 = arith.constant 0 : index
    %get3A_131 = vector.load %arg27[%get3A_129, %get3A_130] : memref<1x64xf32, #tpu.memory_space<vmem>>, vector<1x64xf32>
    %reduce_sum3A = arith.constant dense<0.000000e+00> : vector<2048xf32>
    %reduce_sum3A_132 = vector.multi_reduction <add>, %add3A_125, %reduce_sum3A [1] : vector<2048x64xf32> to vector<2048xf32>
    %broadcast_in_dim3A_133 = vector.shape_cast %reduce_sum3A_132 : vector<2048xf32> to vector<2048x1xf32>
    %div3A_134 = arith.constant 6.400000e+01 : f32
    %div3A_135 = vector.broadcast %div3A_134 : f32 to vector<2048x1xf32>
    %div3A_136 = arith.divf %broadcast_in_dim3A_133, %div3A_135 : vector<2048x1xf32>
    %sub3A = vector.broadcast %div3A_136 : vector<2048x1xf32> to vector<2048x64xf32>
    %sub3A_137 = arith.subf %add3A_125, %sub3A : vector<2048x64xf32>
    %integer_pow3A = arith.mulf %sub3A_137, %sub3A_137 : vector<2048x64xf32>
    %reduce_sum3A_138 = arith.constant dense<0.000000e+00> : vector<2048xf32>
    %reduce_sum3A_139 = vector.multi_reduction <add>, %integer_pow3A, %reduce_sum3A_138 [1] : vector<2048x64xf32> to vector<2048xf32>
    %broadcast_in_dim3A_140 = vector.shape_cast %reduce_sum3A_139 : vector<2048xf32> to vector<2048x1xf32>
    %div3A_141 = arith.constant 6.400000e+01 : f32
    %div3A_142 = vector.broadcast %div3A_141 : f32 to vector<2048x1xf32>
    %div3A_143 = arith.divf %broadcast_in_dim3A_140, %div3A_142 : vector<2048x1xf32>
    %sub3A_144 = vector.broadcast %div3A_136 : vector<2048x1xf32> to vector<2048x64xf32>
    %sub3A_145 = arith.subf %add3A_125, %sub3A_144 : vector<2048x64xf32>
    %add3A_146 = arith.constant 9.99999974E-6 : f32
    %add3A_147 = vector.broadcast %add3A_146 : f32 to vector<2048x1xf32>
    %add3A_148 = arith.addf %div3A_143, %add3A_147 : vector<2048x1xf32>
    %sqrt3A = math.sqrt %add3A_148 : vector<2048x1xf32>
    %div3A_149 = vector.broadcast %sqrt3A : vector<2048x1xf32> to vector<2048x64xf32>
    %div3A_150 = arith.divf %sub3A_145, %div3A_149 : vector<2048x64xf32>
    %mul3A_151 = vector.broadcast %get3A_128 : vector<1x64xf32> to vector<2048x64xf32>
    %mul3A_152 = arith.mulf %div3A_150, %mul3A_151 : vector<2048x64xf32>
    %add3A_153 = vector.broadcast %get3A_131 : vector<1x64xf32> to vector<2048x64xf32>
    %add3A_154 = arith.addf %mul3A_152, %add3A_153 : vector<2048x64xf32>
    %get3A_155 = arith.constant 0 : index
    %get3A_156 = arith.constant 0 : index
    %get3A_157 = vector.load %arg22[%get3A_155, %get3A_156] : memref<64x128xf32, #tpu.memory_space<vmem>>, vector<64x128xf32>
    %dot_general3A_158 = arith.constant dense<0.000000e+00> : vector<2048x128xf32>
    %dot_general3A_159 = tpu.matmul %add3A_154, %get3A_157, %dot_general3A_158 {dimension_numbers = #tpu.dot_dimension_numbers<[1], [0], [0], [1], [0, 0, 1, 1], [], []>, transpose_lhs_hint = false} : vector<2048x64xf32>, vector<64x128xf32>, vector<2048x128xf32> -> vector<2048x128xf32>
    %get3A_160 = arith.constant 0 : index
    %get3A_161 = arith.constant 0 : index
    %get3A_162 = vector.load %arg23[%get3A_160, %get3A_161] : memref<1x128xf32, #tpu.memory_space<vmem>>, vector<1x128xf32>
    %add3A_163 = vector.broadcast %get3A_162 : vector<1x128xf32> to vector<2048x128xf32>
    %add3A_164 = arith.addf %dot_general3A_159, %add3A_163 : vector<2048x128xf32>
    %max3A = arith.constant 0.000000e+00 : f32
    %max3A_165 = vector.broadcast %max3A : f32 to vector<2048x128xf32>
    %max3A_166 = arith.maximumf %add3A_164, %max3A_165 : vector<2048x128xf32>
    %get3A_167 = arith.constant 0 : index
    %get3A_168 = arith.constant 0 : index
    %get3A_169 = vector.load %arg24[%get3A_167, %get3A_168] : memref<128x64xf32, #tpu.memory_space<vmem>>, vector<128x64xf32>
    %dot_general3A_170 = arith.constant dense<0.000000e+00> : vector<2048x64xf32>
    %dot_general3A_171 = tpu.matmul %max3A_166, %get3A_169, %dot_general3A_170 {dimension_numbers = #tpu.dot_dimension_numbers<[1], [0], [0], [1], [0, 0, 1, 1], [], []>, transpose_lhs_hint = false} : vector<2048x128xf32>, vector<128x64xf32>, vector<2048x64xf32> -> vector<2048x64xf32>
    %get3A_172 = arith.constant 0 : index
    %get3A_173 = arith.constant 0 : index
    %get3A_174 = vector.load %arg25[%get3A_172, %get3A_173] : memref<1x64xf32, #tpu.memory_space<vmem>>, vector<1x64xf32>
    %add3A_175 = vector.broadcast %get3A_174 : vector<1x64xf32> to vector<2048x64xf32>
    %add3A_176 = arith.addf %dot_general3A_171, %add3A_175 : vector<2048x64xf32>
    %add3A_177 = arith.addf %add3A_154, %add3A_176 : vector<2048x64xf32>
    %get3A_178 = arith.constant 0 : index
    %get3A_179 = arith.constant 0 : index
    %get3A_180 = vector.load %arg28[%get3A_178, %get3A_179] : memref<1x64xf32, #tpu.memory_space<vmem>>, vector<1x64xf32>
    %get3A_181 = arith.constant 0 : index
    %get3A_182 = arith.constant 0 : index
    %get3A_183 = vector.load %arg29[%get3A_181, %get3A_182] : memref<1x64xf32, #tpu.memory_space<vmem>>, vector<1x64xf32>
    %reduce_sum3A_184 = arith.constant dense<0.000000e+00> : vector<2048xf32>
    %reduce_sum3A_185 = vector.multi_reduction <add>, %add3A_177, %reduce_sum3A_184 [1] : vector<2048x64xf32> to vector<2048xf32>
    %broadcast_in_dim3A_186 = vector.shape_cast %reduce_sum3A_185 : vector<2048xf32> to vector<2048x1xf32>
    %div3A_187 = arith.constant 6.400000e+01 : f32
    %div3A_188 = vector.broadcast %div3A_187 : f32 to vector<2048x1xf32>
    %div3A_189 = arith.divf %broadcast_in_dim3A_186, %div3A_188 : vector<2048x1xf32>
    %sub3A_190 = vector.broadcast %div3A_189 : vector<2048x1xf32> to vector<2048x64xf32>
    %sub3A_191 = arith.subf %add3A_177, %sub3A_190 : vector<2048x64xf32>
    %integer_pow3A_192 = arith.mulf %sub3A_191, %sub3A_191 : vector<2048x64xf32>
    %reduce_sum3A_193 = arith.constant dense<0.000000e+00> : vector<2048xf32>
    %reduce_sum3A_194 = vector.multi_reduction <add>, %integer_pow3A_192, %reduce_sum3A_193 [1] : vector<2048x64xf32> to vector<2048xf32>
    %broadcast_in_dim3A_195 = vector.shape_cast %reduce_sum3A_194 : vector<2048xf32> to vector<2048x1xf32>
    %div3A_196 = arith.constant 6.400000e+01 : f32
    %div3A_197 = vector.broadcast %div3A_196 : f32 to vector<2048x1xf32>
    %div3A_198 = arith.divf %broadcast_in_dim3A_195, %div3A_197 : vector<2048x1xf32>
    %sub3A_199 = vector.broadcast %div3A_189 : vector<2048x1xf32> to vector<2048x64xf32>
    %sub3A_200 = arith.subf %add3A_177, %sub3A_199 : vector<2048x64xf32>
    %add3A_201 = arith.constant 9.99999974E-6 : f32
    %add3A_202 = vector.broadcast %add3A_201 : f32 to vector<2048x1xf32>
    %add3A_203 = arith.addf %div3A_198, %add3A_202 : vector<2048x1xf32>
    %sqrt3A_204 = math.sqrt %add3A_203 : vector<2048x1xf32>
    %div3A_205 = vector.broadcast %sqrt3A_204 : vector<2048x1xf32> to vector<2048x64xf32>
    %div3A_206 = arith.divf %sub3A_200, %div3A_205 : vector<2048x64xf32>
    %mul3A_207 = vector.broadcast %get3A_180 : vector<1x64xf32> to vector<2048x64xf32>
    %mul3A_208 = arith.mulf %div3A_206, %mul3A_207 : vector<2048x64xf32>
    %add3A_209 = vector.broadcast %get3A_183 : vector<1x64xf32> to vector<2048x64xf32>
    %add3A_210 = arith.addf %mul3A_208, %add3A_209 : vector<2048x64xf32>
    %get3A_211 = arith.constant 0 : index
    %get3A_212 = arith.constant 0 : index
    %get3A_213 = vector.load %arg30[%get3A_211, %get3A_212] : memref<1x64xf32, #tpu.memory_space<vmem>>, vector<1x64xf32>
    %mul3A_214 = vector.broadcast %get3A_213 : vector<1x64xf32> to vector<2048x64xf32>
    %mul3A_215 = arith.mulf %add3A_210, %mul3A_214 : vector<2048x64xf32>
    %dot_general3A_216 = arith.constant dense<0.000000e+00> : vector<2048x1xf32>
    %dot_general3A_217 = tpu.matmul %mul3A_215, %broadcast_in_dim3A_2, %dot_general3A_216 {dimension_numbers = #tpu.dot_dimension_numbers<[1], [0], [0], [1], [0, 0, 1, 1], [], []>, transpose_lhs_hint = false} : vector<2048x64xf32>, vector<64x1xf32>, vector<2048x1xf32> -> vector<2048x1xf32>
    %mul3A_218 = vector.broadcast %dot_general3A_217 : vector<2048x1xf32> to vector<2048x64xf32>
    %mul3A_219 = arith.mulf %mul3A_218, %get3A_4 : vector<2048x64xf32>
    %dot_general3A_220 = arith.constant dense<0.000000e+00> : vector<32x64xf32>
    %dot_general3A_221 = tpu.matmul %get3A_7, %mul3A_219, %dot_general3A_220 {dimension_numbers = #tpu.dot_dimension_numbers<[1], [0], [0], [1], [0, 0, 1, 1], [], []>, transpose_lhs_hint = false} : vector<32x2048xf32>, vector<2048x64xf32>, vector<32x64xf32> -> vector<32x64xf32>
    %gt3A = arith.constant 0.000000e+00 : f32
    %gt3A_222 = vector.broadcast %gt3A : f32 to vector<2048x1xf32>
    %gt3A_223 = arith.cmpf ogt, %dot_general3A_14, %gt3A_222 : vector<2048x1xf32>
    %jit3A = arith.constant -3.000000e+38 : f32
    %broadcast_in_dim3A_224 = vector.broadcast %jit3A : f32 to vector<2048x1xf32>
    %select_n3A = arith.select %gt3A_223, %dot_general3A_217, %broadcast_in_dim3A_224 : vector<2048x1xi1>, vector<2048x1xf32>
    %gt3A_225 = arith.constant 0.000000e+00 : f32
    %gt3A_226 = vector.broadcast %gt3A_225 : f32 to vector<32x64xf32>
    %gt3A_227 = arith.cmpf ogt, %get3A_10, %gt3A_226 : vector<32x64xf32>
    %jit3A_228 = arith.constant -3.000000e+38 : f32
    %broadcast_in_dim3A_229 = vector.broadcast %jit3A_228 : f32 to vector<32x64xf32>
    %select_n3A_230 = arith.select %gt3A_227, %dot_general3A_221, %broadcast_in_dim3A_229 : vector<32x64xi1>, vector<32x64xf32>
    %reshape3A_231 = vector.shape_cast %select_n3A_230 : vector<32x64xf32> to vector<32x1x64xf32>
    %broadcast_in_dim3A_232 = vector.shape_cast %reshape3A_231 : vector<32x1x64xf32> to vector<32x1x64xf32>
    %broadcast_in_dim3A_233 = vector.broadcast %broadcast_in_dim3A_232 : vector<32x1x64xf32> to vector<32x64x64xf32>
    %reshape3A_234 = vector.shape_cast %broadcast_in_dim3A_233 : vector<32x64x64xf32> to vector<2048x64xf32>
    %gt3A_235 = vector.broadcast %select_n3A : vector<2048x1xf32> to vector<2048x64xf32>
    %gt3A_236 = arith.cmpf ogt, %reshape3A_234, %gt3A_235 : vector<2048x64xf32>
    %convert_element_type3A_237 = arith.extui %gt3A_236 : vector<2048x64xi1> to vector<2048x64xi32>
    %convert_element_type3A_238 = arith.sitofp %convert_element_type3A_237 : vector<2048x64xi32> to vector<2048x64xf32>
    %mul3A_239 = arith.mulf %convert_element_type3A_238, %reshape3A_13 : vector<2048x64xf32>
    %dot_general3A_240 = arith.constant dense<0.000000e+00> : vector<2048x1xf32>
    %dot_general3A_241 = tpu.matmul %mul3A_239, %broadcast_in_dim3A_2, %dot_general3A_240 {dimension_numbers = #tpu.dot_dimension_numbers<[1], [0], [0], [1], [0, 0, 1, 1], [], []>, transpose_lhs_hint = false} : vector<2048x64xf32>, vector<64x1xf32>, vector<2048x1xf32> -> vector<2048x1xf32>
    %sub3A_242 = arith.constant 8.000000e+00 : f32
    %sub3A_243 = vector.broadcast %sub3A_242 : f32 to vector<2048x1xf32>
    %sub3A_244 = arith.subf %sub3A_243, %dot_general3A_241 : vector<2048x1xf32>
    %jit3A_245 = arith.constant 0.000000e+00 : f32
    %max3A_246 = vector.broadcast %jit3A_245 : f32 to vector<2048x1xf32>
    %max3A_247 = arith.maximumf %max3A_246, %sub3A_244 : vector<2048x1xf32>
    %min3A = arith.minimumf %dot_general3A_14, %max3A_247 : vector<2048x1xf32>
    %gt3A_248 = arith.constant 0.000000e+00 : f32
    %gt3A_249 = vector.broadcast %gt3A_248 : f32 to vector<2048x1xf32>
    %gt3A_250 = arith.cmpf ogt, %dot_general3A_14, %gt3A_249 : vector<2048x1xf32>
    %jit3A_251 = arith.constant 0.000000e+00 : f32
    %broadcast_in_dim3A_252 = vector.broadcast %jit3A_251 : f32 to vector<2048x1xf32>
    %select_n3A_253 = arith.select %gt3A_250, %min3A, %broadcast_in_dim3A_252 : vector<2048x1xi1>, vector<2048x1xf32>
    %get3A_254 = arith.constant 0 : index
    %get3A_255 = arith.constant 0 : index
    %get3A_256 = vector.load %arg2[%get3A_254, %get3A_255] : memref<32x1xi32, #tpu.memory_space<vmem>>, vector<32x1xi32>
    %eq3A_257 = vector.broadcast %get3A_256 : vector<32x1xi32> to vector<32x64xi32>
    %eq3A_258 = arith.cmpi eq, %iota3A, %eq3A_257 : vector<32x64xi32>
    %convert_element_type3A_259 = arith.extui %eq3A_258 : vector<32x64xi1> to vector<32x64xi32>
    %convert_element_type3A_260 = arith.sitofp %convert_element_type3A_259 : vector<32x64xi32> to vector<32x64xf32>
    %get3A_261 = arith.constant 0 : index
    %get3A_262 = arith.constant 0 : index
    %get3A_263 = vector.load %arg31[%get3A_261, %get3A_262] : memref<64x64xf32, #tpu.memory_space<vmem>>, vector<64x64xf32>
    %dot_general3A_264 = arith.constant dense<0.000000e+00> : vector<32x64xf32>
    %dot_general3A_265 = tpu.matmul %convert_element_type3A_260, %get3A_263, %dot_general3A_264 {dimension_numbers = #tpu.dot_dimension_numbers<[1], [0], [0], [1], [0, 0, 1, 1], [], []>, transpose_lhs_hint = false} : vector<32x64xf32>, vector<64x64xf32>, vector<32x64xf32> -> vector<32x64xf32>
    %get3A_266 = arith.constant 0 : index
    %get3A_267 = arith.constant 0 : index
    %get3A_268 = vector.load %arg32[%get3A_266, %get3A_267] : memref<64x64xf32, #tpu.memory_space<vmem>>, vector<64x64xf32>
    %dot_general3A_269 = arith.constant dense<0.000000e+00> : vector<32x64xf32>
    %dot_general3A_270 = tpu.matmul %dot_general3A_265, %get3A_268, %dot_general3A_269 {dimension_numbers = #tpu.dot_dimension_numbers<[1], [0], [0], [1], [0, 0, 1, 1], [], []>, transpose_lhs_hint = false} : vector<32x64xf32>, vector<64x64xf32>, vector<32x64xf32> -> vector<32x64xf32>
    %get3A_271 = arith.constant 0 : index
    %get3A_272 = arith.constant 0 : index
    %get3A_273 = vector.load %arg33[%get3A_271, %get3A_272] : memref<1x64xf32, #tpu.memory_space<vmem>>, vector<1x64xf32>
    %add3A_274 = vector.broadcast %get3A_273 : vector<1x64xf32> to vector<32x64xf32>
    %add3A_275 = arith.addf %dot_general3A_270, %add3A_274 : vector<32x64xf32>
    %reshape3A_276 = vector.shape_cast %add3A_275 : vector<32x64xf32> to vector<32x1x64xf32>
    %broadcast_in_dim3A_277 = vector.shape_cast %reshape3A_276 : vector<32x1x64xf32> to vector<32x1x64xf32>
    %broadcast_in_dim3A_278 = vector.broadcast %broadcast_in_dim3A_277 : vector<32x1x64xf32> to vector<32x64x64xf32>
    %reshape3A_279 = vector.shape_cast %broadcast_in_dim3A_278 : vector<32x64x64xf32> to vector<2048x64xf32>
    %mul3A_280 = arith.mulf %add3A_210, %reshape3A_279 : vector<2048x64xf32>
    %dot_general3A_281 = arith.constant dense<0.000000e+00> : vector<2048x1xf32>
    %dot_general3A_282 = tpu.matmul %mul3A_280, %broadcast_in_dim3A_2, %dot_general3A_281 {dimension_numbers = #tpu.dot_dimension_numbers<[1], [0], [0], [1], [0, 0, 1, 1], [], []>, transpose_lhs_hint = false} : vector<2048x64xf32>, vector<64x1xf32>, vector<2048x1xf32> -> vector<2048x1xf32>
    %mul3A_283 = arith.constant 1.250000e-01 : f32
    %mul3A_284 = vector.broadcast %mul3A_283 : f32 to vector<2048x1xf32>
    %mul3A_285 = arith.mulf %dot_general3A_282, %mul3A_284 : vector<2048x1xf32>
    %exp3A_286 = math.exp %mul3A_285 : vector<2048x1xf32>
    %mul3A_287 = arith.mulf %exp3A_286, %select_n3A_253 : vector<2048x1xf32>
    %dot_general3A_288 = arith.constant dense<0.000000e+00> : vector<32x1xf32>
    %dot_general3A_289 = tpu.matmul %get3A_7, %mul3A_287, %dot_general3A_288 {dimension_numbers = #tpu.dot_dimension_numbers<[1], [0], [0], [1], [0, 0, 1, 1], [], []>, transpose_lhs_hint = false} : vector<32x2048xf32>, vector<2048x1xf32>, vector<32x1xf32> -> vector<32x1xf32>
    %mul3A_290 = vector.broadcast %mul3A_287 : vector<2048x1xf32> to vector<2048x64xf32>
    %mul3A_291 = arith.mulf %mul3A_290, %add3A_210 : vector<2048x64xf32>
    %dot_general3A_292 = arith.constant dense<0.000000e+00> : vector<32x64xf32>
    %dot_general3A_293 = tpu.matmul %get3A_7, %mul3A_291, %dot_general3A_292 {dimension_numbers = #tpu.dot_dimension_numbers<[1], [0], [0], [1], [0, 0, 1, 1], [], []>, transpose_lhs_hint = false} : vector<32x2048xf32>, vector<2048x64xf32>, vector<32x64xf32> -> vector<32x64xf32>
    %div3A_294 = arith.constant 1.000000e+00 : f32
    %div3A_295 = vector.broadcast %div3A_294 : f32 to vector<32x1xf32>
    %div3A_296 = arith.divf %div3A_295, %dot_general3A_289 : vector<32x1xf32>
    %mul3A_297 = vector.broadcast %div3A_296 : vector<32x1xf32> to vector<32x64xf32>
    %mul3A_298 = arith.mulf %dot_general3A_293, %mul3A_297 : vector<32x64xf32>
    %get3A_299 = arith.constant 0 : index
    %get3A_300 = arith.constant 0 : index
    %get3A_301 = vector.load %arg34[%get3A_299, %get3A_300] : memref<64x64xf32, #tpu.memory_space<vmem>>, vector<64x64xf32>
    %dot_general3A_302 = arith.constant dense<0.000000e+00> : vector<32x64xf32>
    %dot_general3A_303 = tpu.matmul %mul3A_298, %get3A_301, %dot_general3A_302 {dimension_numbers = #tpu.dot_dimension_numbers<[1], [0], [0], [1], [0, 0, 1, 1], [], []>, transpose_lhs_hint = false} : vector<32x64xf32>, vector<64x64xf32>, vector<32x64xf32> -> vector<32x64xf32>
    %get3A_304 = arith.constant 0 : index
    %get3A_305 = arith.constant 0 : index
    %get3A_306 = vector.load %arg35[%get3A_304, %get3A_305] : memref<1x64xf32, #tpu.memory_space<vmem>>, vector<1x64xf32>
    %add3A_307 = vector.broadcast %get3A_306 : vector<1x64xf32> to vector<32x64xf32>
    %add3A_308 = arith.addf %dot_general3A_303, %add3A_307 : vector<32x64xf32>
    %reduce_max3A = arith.constant dense<0xFF800000> : vector<32xf32>
    %reduce_max3A_309 = vector.multi_reduction <maximumf>, %add3A_308, %reduce_max3A [1] : vector<32x64xf32> to vector<32xf32>
    %broadcast_in_dim3A_310 = vector.shape_cast %reduce_max3A_309 : vector<32xf32> to vector<32x1xf32>
    %sub3A_311 = vector.broadcast %broadcast_in_dim3A_310 : vector<32x1xf32> to vector<32x64xf32>
    %sub3A_312 = arith.subf %add3A_308, %sub3A_311 : vector<32x64xf32>
    %exp3A_313 = math.exp %sub3A_312 : vector<32x64xf32>
    %reduce_sum3A_314 = arith.constant dense<0.000000e+00> : vector<32xf32>
    %reduce_sum3A_315 = vector.multi_reduction <add>, %exp3A_313, %reduce_sum3A_314 [1] : vector<32x64xf32> to vector<32xf32>
    %broadcast_in_dim3A_316 = vector.shape_cast %reduce_sum3A_315 : vector<32xf32> to vector<32x1xf32>
    %log3A = math.log %broadcast_in_dim3A_316 : vector<32x1xf32>
    %add3A_317 = arith.addf %broadcast_in_dim3A_310, %log3A : vector<32x1xf32>
    %get3A_318 = arith.constant 0 : index
    %get3A_319 = arith.constant 0 : index
    %get3A_320 = vector.load %arg3[%get3A_318, %get3A_319] : memref<32x1xi32, #tpu.memory_space<vmem>>, vector<32x1xi32>
    %eq3A_321 = vector.broadcast %get3A_320 : vector<32x1xi32> to vector<32x64xi32>
    %eq3A_322 = arith.cmpi eq, %iota3A, %eq3A_321 : vector<32x64xi32>
    %convert_element_type3A_323 = arith.extui %eq3A_322 : vector<32x64xi1> to vector<32x64xi32>
    %convert_element_type3A_324 = arith.sitofp %convert_element_type3A_323 : vector<32x64xi32> to vector<32x64xf32>
    %mul3A_325 = arith.mulf %add3A_308, %convert_element_type3A_324 : vector<32x64xf32>
    %reduce_sum3A_326 = arith.constant dense<0.000000e+00> : vector<32xf32>
    %reduce_sum3A_327 = vector.multi_reduction <add>, %mul3A_325, %reduce_sum3A_326 [1] : vector<32x64xf32> to vector<32xf32>
    %broadcast_in_dim3A_328 = vector.shape_cast %reduce_sum3A_327 : vector<32xf32> to vector<32x1xf32>
    %get3A_329 = arith.constant 0 : index
    %get3A_330 = arith.constant 0 : index
    %get3A_331 = vector.load %arg36[%get3A_329, %get3A_330] : memref<1x1xf32, #tpu.memory_space<vmem>>, vector<1x1xf32>
    %sub3A_332 = arith.subf %add3A_317, %broadcast_in_dim3A_328 : vector<32x1xf32>
    %reduce_sum3A_333 = vector.shape_cast %sub3A_332 : vector<32x1xf32> to vector<1x32x1xf32>
    %reduce_sum3A_334 = arith.constant dense<0.000000e+00> : vector<1xf32>
    %reduce_sum3A_335 = vector.multi_reduction <add>, %reduce_sum3A_333, %reduce_sum3A_334 [1, 2] : vector<1x32x1xf32> to vector<1xf32>
    %reduce_sum3A_336 = vector.shape_cast %reduce_sum3A_335 : vector<1xf32> to vector<1x1x1xf32>
    %reduce_sum3A_337 = vector.extract %reduce_sum3A_336[0, 0, 0] : f32 from vector<1x1x1xf32>
    %mul3A_338 = arith.constant 7.812500e-03 : f32
    %mul3A_339 = arith.mulf %reduce_sum3A_337, %mul3A_338 : f32
    %add3A_340 = vector.broadcast %mul3A_339 : f32 to vector<1x1xf32>
    %add3A_341 = arith.addf %get3A_331, %add3A_340 : vector<1x1xf32>
    %swap3A = arith.constant 0 : index
    %swap3A_342 = arith.constant 0 : index
    %swap3A_343 = vector.load %arg36[%swap3A, %swap3A_342] : memref<1x1xf32, #tpu.memory_space<vmem>>, vector<1x1xf32>
    tpu.vector_store %arg36[%swap3A, %swap3A_342], %add3A_341 {strides = array<i32>} : memref<1x1xf32, #tpu.memory_space<vmem>>, vector<1x1xf32>,
    return
  }
  func.func @transform_0(%arg0: i32) -> (i32, i32) {
    %c0_i32 = arith.constant 0 : i32
    %c0_i32_0 = arith.constant 0 : i32
    return %arg0, %c0_i32 : i32, i32
  }
  func.func @transform_1(%arg0: i32) -> (i32, i32) {
    %c0_i32 = arith.constant 0 : i32
    %c0_i32_0 = arith.constant 0 : i32
    return %arg0, %c0_i32 : i32, i32
  }
  func.func @transform_2(%arg0: i32) -> (i32, i32) {
    %c0_i32 = arith.constant 0 : i32
    %c0_i32_0 = arith.constant 0 : i32
    return %arg0, %c0_i32 : i32, i32
  }
  func.func @transform_3(%arg0: i32) -> (i32, i32) {
    %c0_i32 = arith.constant 0 : i32
    %c0_i32_0 = arith.constant 0 : i32
    %c0_i32_1 = arith.constant 0 : i32
    return %c0_i32, %c0_i32_0 : i32, i32
  }
  func.func @transform_4(%arg0: i32) -> (i32, i32) {
    %c0_i32 = arith.constant 0 : i32
    %c0_i32_0 = arith.constant 0 : i32
    %c0_i32_1 = arith.constant 0 : i32
    return %c0_i32, %c0_i32_0 : i32, i32
  }
  func.func @transform_5(%arg0: i32) -> (i32, i32) {
    %c0_i32 = arith.constant 0 : i32
    %c0_i32_0 = arith.constant 0 : i32
    %c0_i32_1 = arith.constant 0 : i32
    return %c0_i32, %c0_i32_0 : i32, i32
  }
  func.func @transform_6(%arg0: i32) -> (i32, i32) {
    %c0_i32 = arith.constant 0 : i32
    %c0_i32_0 = arith.constant 0 : i32
    %c0_i32_1 = arith.constant 0 : i32
    return %c0_i32, %c0_i32_0 : i32, i32
  }
  func.func @transform_7(%arg0: i32) -> (i32, i32) {
    %c0_i32 = arith.constant 0 : i32
    %c0_i32_0 = arith.constant 0 : i32
    %c0_i32_1 = arith.constant 0 : i32
    return %c0_i32, %c0_i32_0 : i32, i32
  }
  func.func @transform_8(%arg0: i32) -> (i32, i32) {
    %c0_i32 = arith.constant 0 : i32
    %c0_i32_0 = arith.constant 0 : i32
    %c0_i32_1 = arith.constant 0 : i32
    return %c0_i32, %c0_i32_0 : i32, i32
  }
  func.func @transform_9(%arg0: i32) -> (i32, i32) {
    %c0_i32 = arith.constant 0 : i32
    %c0_i32_0 = arith.constant 0 : i32
    %c0_i32_1 = arith.constant 0 : i32
    return %c0_i32, %c0_i32_0 : i32, i32
  }
  func.func @transform_10(%arg0: i32) -> (i32, i32) {
    %c0_i32 = arith.constant 0 : i32
    %c0_i32_0 = arith.constant 0 : i32
    %c0_i32_1 = arith.constant 0 : i32
    return %c0_i32, %c0_i32_0 : i32, i32
  }
  func.func @transform_11(%arg0: i32) -> (i32, i32) {
    %c0_i32 = arith.constant 0 : i32
    %c0_i32_0 = arith.constant 0 : i32
    %c0_i32_1 = arith.constant 0 : i32
    return %c0_i32, %c0_i32_0 : i32, i32
  }
  func.func @transform_12(%arg0: i32) -> (i32, i32) {
    %c0_i32 = arith.constant 0 : i32
    %c0_i32_0 = arith.constant 0 : i32
    %c0_i32_1 = arith.constant 0 : i32
    return %c0_i32, %c0_i32_0 : i32, i32
  }
  func.func @transform_13(%arg0: i32) -> (i32, i32) {
    %c0_i32 = arith.constant 0 : i32
    %c0_i32_0 = arith.constant 0 : i32
    %c0_i32_1 = arith.constant 0 : i32
    return %c0_i32, %c0_i32_0 : i32, i32
  }
  func.func @transform_14(%arg0: i32) -> (i32, i32) {
    %c0_i32 = arith.constant 0 : i32
    %c0_i32_0 = arith.constant 0 : i32
    %c0_i32_1 = arith.constant 0 : i32
    return %c0_i32, %c0_i32_0 : i32, i32
  }
  func.func @transform_15(%arg0: i32) -> (i32, i32) {
    %c0_i32 = arith.constant 0 : i32
    %c0_i32_0 = arith.constant 0 : i32
    %c0_i32_1 = arith.constant 0 : i32
    return %c0_i32, %c0_i32_0 : i32, i32
  }
  func.func @transform_16(%arg0: i32) -> (i32, i32) {
    %c0_i32 = arith.constant 0 : i32
    %c0_i32_0 = arith.constant 0 : i32
    %c0_i32_1 = arith.constant 0 : i32
    return %c0_i32, %c0_i32_0 : i32, i32
  }
  func.func @transform_17(%arg0: i32) -> (i32, i32) {
    %c0_i32 = arith.constant 0 : i32
    %c0_i32_0 = arith.constant 0 : i32
    %c0_i32_1 = arith.constant 0 : i32
    return %c0_i32, %c0_i32_0 : i32, i32
  }
  func.func @transform_18(%arg0: i32) -> (i32, i32) {
    %c0_i32 = arith.constant 0 : i32
    %c0_i32_0 = arith.constant 0 : i32
    %c0_i32_1 = arith.constant 0 : i32
    return %c0_i32, %c0_i32_0 : i32, i32
  }
  func.func @transform_19(%arg0: i32) -> (i32, i32) {
    %c0_i32 = arith.constant 0 : i32
    %c0_i32_0 = arith.constant 0 : i32
    %c0_i32_1 = arith.constant 0 : i32
    return %c0_i32, %c0_i32_0 : i32, i32
  }
  func.func @transform_20(%arg0: i32) -> (i32, i32) {
    %c0_i32 = arith.constant 0 : i32
    %c0_i32_0 = arith.constant 0 : i32
    %c0_i32_1 = arith.constant 0 : i32
    return %c0_i32, %c0_i32_0 : i32, i32
  }
  func.func @transform_21(%arg0: i32) -> (i32, i32) {
    %c0_i32 = arith.constant 0 : i32
    %c0_i32_0 = arith.constant 0 : i32
    %c0_i32_1 = arith.constant 0 : i32
    return %c0_i32, %c0_i32_0 : i32, i32
  }
  func.func @transform_22(%arg0: i32) -> (i32, i32) {
    %c0_i32 = arith.constant 0 : i32
    %c0_i32_0 = arith.constant 0 : i32
    %c0_i32_1 = arith.constant 0 : i32
    return %c0_i32, %c0_i32_0 : i32, i32
  }
  func.func @transform_23(%arg0: i32) -> (i32, i32) {
    %c0_i32 = arith.constant 0 : i32
    %c0_i32_0 = arith.constant 0 : i32
    %c0_i32_1 = arith.constant 0 : i32
    return %c0_i32, %c0_i32_0 : i32, i32
  }
  func.func @transform_24(%arg0: i32) -> (i32, i32) {
    %c0_i32 = arith.constant 0 : i32
    %c0_i32_0 = arith.constant 0 : i32
    %c0_i32_1 = arith.constant 0 : i32
    return %c0_i32, %c0_i32_0 : i32, i32
  }
  func.func @transform_25(%arg0: i32) -> (i32, i32) {
    %c0_i32 = arith.constant 0 : i32
    %c0_i32_0 = arith.constant 0 : i32
    %c0_i32_1 = arith.constant 0 : i32
    return %c0_i32, %c0_i32_0 : i32, i32
  }
  func.func @transform_26(%arg0: i32) -> (i32, i32) {
    %c0_i32 = arith.constant 0 : i32
    %c0_i32_0 = arith.constant 0 : i32
    %c0_i32_1 = arith.constant 0 : i32
    return %c0_i32, %c0_i32_0 : i32, i32
  }
  func.func @transform_27(%arg0: i32) -> (i32, i32) {
    %c0_i32 = arith.constant 0 : i32
    %c0_i32_0 = arith.constant 0 : i32
    %c0_i32_1 = arith.constant 0 : i32
    return %c0_i32, %c0_i32_0 : i32, i32
  }
  func.func @transform_28(%arg0: i32) -> (i32, i32) {
    %c0_i32 = arith.constant 0 : i32
    %c0_i32_0 = arith.constant 0 : i32
    %c0_i32_1 = arith.constant 0 : i32
    return %c0_i32, %c0_i32_0 : i32, i32
  }
  func.func @transform_29(%arg0: i32) -> (i32, i32) {
    %c0_i32 = arith.constant 0 : i32
    %c0_i32_0 = arith.constant 0 : i32
    %c0_i32_1 = arith.constant 0 : i32
    return %c0_i32, %c0_i32_0 : i32, i32
  }
  func.func @transform_30(%arg0: i32) -> (i32, i32) {
    %c0_i32 = arith.constant 0 : i32
    %c0_i32_0 = arith.constant 0 : i32
    %c0_i32_1 = arith.constant 0 : i32
    return %c0_i32, %c0_i32_0 : i32, i32
  }
  func.func @transform_31(%arg0: i32) -> (i32, i32) {
    %c0_i32 = arith.constant 0 : i32
    %c0_i32_0 = arith.constant 0 : i32
    %c0_i32_1 = arith.constant 0 : i32
    return %c0_i32, %c0_i32_0 : i32, i32
  }
  func.func @transform_32(%arg0: i32) -> (i32, i32) {
    %c0_i32 = arith.constant 0 : i32
    %c0_i32_0 = arith.constant 0 : i32
    %c0_i32_1 = arith.constant 0 : i32
    return %c0_i32, %c0_i32_0 : i32, i32
  }
  func.func @transform_33(%arg0: i32) -> (i32, i32) {
    %c0_i32 = arith.constant 0 : i32
    %c0_i32_0 = arith.constant 0 : i32
    %c0_i32_1 = arith.constant 0 : i32
    return %c0_i32, %c0_i32_0 : i32, i32
  }
  func.func @transform_34(%arg0: i32) -> (i32, i32) {
    %c0_i32 = arith.constant 0 : i32
    %c0_i32_0 = arith.constant 0 : i32
    %c0_i32_1 = arith.constant 0 : i32
    return %c0_i32, %c0_i32_0 : i32, i32
  }
  func.func @transform_35(%arg0: i32) -> (i32, i32) {
    %c0_i32 = arith.constant 0 : i32
    %c0_i32_0 = arith.constant 0 : i32
    %c0_i32_1 = arith.constant 0 : i32
    return %c0_i32, %c0_i32_0 : i32, i32
  }
}

</mosaic_0001>

<sc_bundles>
// kernel: _run.4.cloned.1.call-start
scs
__scs_entry_jumppad:
0x0: {  	(pc) =	sbr.rel $0x88, $3  }
0x1: {  	(tag) =	ssettag $0x0;
	lr =	simm.s32 $0x1  }
0x2: {  	[smem:$0x3F8B] =	sst lr;
	_ =	strace $0xD0000000  }
0x3: {  	_ = 	snop  }
0x4: {  	_ = 	snop  }
0x5: {  	_ = 	snop  }
0x6: {  	_ = 	snop  }
0x7: {  	_ = 	snop  }
__scs_overlays_trampoline_lowered:
0x8: {  	[smem:$0x3F9A] =	sst s0  }
0x9: {  	[smem:$0x3F9B] =	sst s1  }
0xa: {  	[smem:$0x3F9C] =	sst s2  }
0xb: {  	[smem:$0x3F9D] =	sst s3  }
0xc: {  	[smem:$0x3F9E] =	sst s4  }
0xd: {  	[smem:$0x3F9F] =	sst s5  }
0xe: {  	[smem:$0x3FA0] =	sst s6  }
0xf: {  	[smem:$0x3FA1] =	sst s7  }
0x10: {  	[smem:$0x3FA2] =	sst s8  }
0x11: {  	[smem:$0x3FA3] =	sst s9;
	s0 =	simm.s32 @!p0 $0x0  }
0x12: {  	s1 =	sld [smem:$0x3F89];
	s0 =	simm.s32 @p0 $0x1  }
0x13: {  	[smem:$0x3FA4] =	sst s0;
	s0 =	simm.s32 @!p1 $0x0  }
0x14: {  	s2 =	sld [smem:$0x3F88];
	s0 =	simm.s32 @p1 $0x1  }
0x15: {  	[smem:$0x3FA5] =	sst s0;
	s0 =	simm.s32 @!p2 $0x0  }
0x16: {  	s3 =	sld [smem:$0x3FDB];
	s0 =	simm.s32 @p2 $0x1  }
0x17: {  	s4 =	simm.s32 $0x1BF5;
	[smem:$0x3FA7] =	sst s0  }
0x18: {  	s0 =	sld [smem:$0x3F8A];
	_ =	swait.ge [sflag:s4], $0x0  }
0x19: {  	s7 =	sld [smem:$0x3F8B]  }
0x1a: {  	s8 =	sadd.s32 $0xFFFFE003, lr  }
0x1b: {  	s9 =	sadd.s32 $0xFFFFFEF7, lr;
	s5 =	simm.s32 $0xFFFFFFFF;
	p2 =	slt.u32 s8, $0xFFFFF086  }
0x1c: {  	p1 =	slt.u32 s9, $0xF7A;
	s5 =	simm.s32 @!p2 $0x0  }
0x1d: {  	s5 =	simm.s32 @p1 $0x1;
	p0 =	seq.s32 s7, s2  }
0x1e: {  	s7 =	smul.u32 @!p0 $0xF7A, s2;
	p2 =	seq.s32 @!p0 s5, $0x0  }
0x1f: {  	s9 =	smul.u32 $0xF7A, s1;
	s8 =	simm.s32 @!p0 $0x1BF5;
	p2 =	por !p2, p0  }
0x20: {  	[sflag:s8] =	ssyncset.s32 @!p0 $0xFFFFF086;
	s6 =	sadd.s32 @!p0 s3, s7;
	s7 =	simm.s32 @!p0 $0x108  }
0x21: {  	s3 =	sadd.s32 s3, s9;
	s6 =	sadd.s32 @!p0 $0x88, s6;
	s7 =	simm.s32 @p2 $0x1082  }
0x22: {  	[simem:s7], [sflag:s8] =	dma.local @!p0 [hbm:s6], $0xF7A  }
0x23: {  	s9 =	sor.u32 $0xD0000000, s2;
	s6 =	simm.s32 $0x108;
	_ =	swait.ge @!p0 [sflag:s8], $0x0  }
0x24: {  	s3 =	sadd.s32 $0x88, s3;
	s6 =	simm.s32 @!p1 $0x1082;
	[sflag:s4] =	ssyncset.s32 $0xFFFFF086  }
0x25: {  	[simem:s6], [sflag:s4] =	dma.local [hbm:s3], $0xF7A  }
0x26: {  	[smem:$0x3F8B] =	sst s1;
	(tag) =	ssettag s2;
	_ =	strace s9  }
0x27: {  	s1 =	sld [smem:$0x3F9B]  }
0x28: {  	s2 =	sld [smem:$0x3F9C]  }
0x29: {  	s4 =	sld [smem:$0x3F9E]  }
0x2a: {  	p0 =	seq.s32 s5, $0x0;
	s5 =	sld [smem:$0x3F9F]  }
0x2b: {  	s6 =	sld [smem:$0x3FA0]  }
0x2c: {  	s7 =	sld [smem:$0x3FA1]  }
0x2d: {  	s3 =	simm.s32 $0x108;
	s8 =	sld [smem:$0x3FA2]  }
0x2e: {  	s3 =	simm.s32 @!p0 $0x1082;
	s9 =	sld [smem:$0x3FA3]  }
0x2f: {  	lr =	sadd.s32 s0, s3;
	s0 =	sld [smem:$0x3F9A]  }
0x30: {  	s3 =	sld [smem:$0x3F9D]  }
0x31: {  	[smem:$0x3FA6] =	sst s10  }
0x32: {  	s10 =	sld [smem:$0x3FA4];
	_ =	sdelay $0x3  }
0x33: {  	p0 =	seq.s32 s10, $0x1;
	s10 =	sld [smem:$0x3FA6];
	_ =	sdelay $0x3  }
0x34: {  	[smem:$0x3FA6] =	sst s10  }
0x35: {  	s10 =	sld [smem:$0x3FA5];
	_ =	sdelay $0x3  }
0x36: {  	p1 =	seq.s32 s10, $0x1;
	s10 =	sld [smem:$0x3FA6];
	_ =	sdelay $0x3  }
0x37: {  	[smem:$0x3FA6] =	sst s10  }
0x38: {  	s10 =	sld [smem:$0x3FA7]  }
0x39: {  	_ = 	snop;
	(pc) =	sbr.ind lr, $3  }
0x3a: {  	_ = 	snop  }
0x3b: {  	_ = 	snop  }
0x3c: {  	p2 =	seq.s32 s10, $0x1;
	s10 =	sld [smem:$0x3FA6]  }
0x3d: {  	_ =	shalt  }
0x3e: {  	_ =	shalt  }
0x3f: {  	_ =	shalt  }
0x40: {  	_ =	shalt  }
0x41: {  	_ =	shalt  }
0x42: {  	_ =	shalt  }
0x43: {  	_ =	shalt  }
0x44: {  	_ =	shalt  }
0x45: {  	_ =	shalt  }
0x46: {  	_ =	shalt  }
0x47: {  	_ =	shalt  }
0x48: {  	_ =	shalt  }
0x49: {  	_ =	shalt  }
0x4a: {  	_ =	shalt  }
0x4b: {  	_ =	shalt  }
0x4c: {  	_ =	shalt  }
0x4d: {  	_ =	shalt  }
0x4e: {  	_ =	shalt  }
0x4f: {  	_ =	shalt  }
0x50: {  	_ =	shalt  }
0x51: {  	_ =	shalt  }
0x52: {  	_ =	shalt  }
0x53: {  	_ =	shalt  }
0x54: {  	_ =	shalt  }
0x55: {  	_ =	shalt  }
0x56: {  	_ =	shalt  }
0x57: {  	_ =	shalt  }
0x58: {  	_ =	shalt  }
0x59: {  	_ =	shalt  }
0x5a: {  	_ =	shalt  }
0x5b: {  	_ =	shalt  }
0x5c: {  	_ =	shalt  }
0x5d: {  	_ =	shalt  }
0x5e: {  	_ =	shalt  }
0x5f: {  	_ =	shalt  }
0x60: {  	_ =	shalt  }
0x61: {  	_ =	shalt  }
0x62: {  	_ =	shalt  }
0x63: {  	_ =	shalt  }
0x64: {  	_ =	shalt  }
0x65: {  	_ =	shalt  }
0x66: {  	_ =	shalt  }
0x67: {  	_ =	shalt  }
0x68: {  	_ =	shalt  }
0x69: {  	_ =	shalt  }
0x6a: {  	_ =	shalt  }
0x6b: {  	_ =	shalt  }
0x6c: {  	_ =	shalt  }
0x6d: {  	_ =	shalt  }
0x6e: {  	_ =	shalt  }
0x6f: {  	_ =	shalt  }
0x70: {  	_ =	shalt  }
0x71: {  	_ =	shalt  }
0x72: {  	_ =	shalt  }
0x73: {  	_ =	shalt  }
0x74: {  	_ =	shalt  }
0x75: {  	_ =	shalt  }
0x76: {  	_ =	shalt  }
0x77: {  	_ =	shalt  }
0x78: {  	_ =	shalt  }
0x79: {  	_ =	shalt  }
0x7a: {  	_ =	shalt  }
0x7b: {  	_ =	shalt  }
0x7c: {  	_ =	shalt  }
0x7d: {  	_ =	shalt  }
0x7e: {  	_ =	shalt  }
0x7f: {  	_ =	shalt  }
0x80: {  	_ =	shalt  }
0x81: {  	_ =	shalt  }
0x82: {  	_ =	shalt  }
0x83: {  	_ =	shalt  }
0x84: {  	_ =	shalt  }
0x85: {  	_ =	shalt  }
0x86: {  	_ =	shalt  }
0x87: {  	_ =	shalt  }
.Lfunc_end0:
.L_simem_size_0:
called_computation_lowered:
.L_overlay_start_0:
0x88: {  	s2 =	sld [smem:$0x3FD9]  }
0x89: {  	s3 =	sld [smem:$0x3FFE];
	_ =	sdelay $0x1  }
0x8a: {  	s1 =	srdreg.scid  }
0x8b: {  	s0 =	sand.u32 $0x1, s1  }
0x8c: {  	s16 =	sshll.u32 s0, $0xA;
	s2 =	sadd.s32 s3, s2  }
0x8d: {  	s2 =	sadd.s32 s2, s16  }
0x8e: {  	[smem:$0x3FB2] =	sst s2  }
0x8f: {  	_ = 	snop  }
0x90: {  	(tm) =	ssettm $0x1  }
0x91: {  	s17 =	sld [smem:$0x3FFB];
	_ =	sdelay $0x3  }
0x92: {  	_ =	strace s17  }
0x93: {  	s2 =	sld [smem:$0x3FFC];
	_ =	sdelay $0x3  }
0x94: {  	_ =	strace s2  }
0x95: {  	s2 =	sld [smem:$0x3FFD];
	_ =	sdelay $0x3  }
0x96: {  	_ =	strace s2  }
0x97: {  	_ =	strace $0x8FFFFFFF  }
0x98: {  	s18 =	sld [smem:$0x3FDB];
	_ =	sdelay $0x1  }
0x99: {  	s19 =	simm.s32 $_scs_section_size  }
0x9a: {  	s4 =	simm.s32 $_size__tile_overlayer_lowered;
	s5 =	simm.s32 $_tile_overlayer_lowered  }
0x9b: {  	s22 =	simm.s32 $0x1BFF;
	s21 =	sshll.u32 s5, $0x1;
	s2 =	sadd.s32 s19, s18  }
0x9c: {  	s6 =	simm.s32 $0x0;
	s20 =	sshll.u32 s4, $0x1;
	s4 =	sadd.s32 s21, s2  }
0x9d: {  	[timem:s6], [sflag:s22] =	dma.local [hbm:s4], s20  }
0x9e: {  	_ =	swait.ge [sflag:s22], s20  }
0x9f: {  	s3 =	ssub.s32 $0x0, s20;
	[sflag:s22] =	ssyncset.done $0x0  }
0xa0: {  	[sflag:s22] =	ssyncadd.s32 s3;
	_ =	sdelay $0x1  }
0xa1: {  	s23 =	simm.s32 $0x1B8B  }
0xa2: {  	_ =	swait.ge [sflag:s23], $0x1  }
0xa3: {  	[sflag:s23] =	ssyncset.done $0x0  }
0xa4: {  	s25 =	simm.s32 $0x1B8E;
	s24 =	sld [smem:$0x3FFE];
	[sflag:s23] =	ssyncadd.s32 $0xFFFFFFFF  }
0xa5: {  	s26 =	simm.s32 $execute0_lowered;
	[smem:$0x3FD2] =	sst s25  }
0xa6: {  	s4 =	sshll.u32 s26, $0x1;
	_ =	strace $0x80000046;
	[dreg:$0x1] =	wrdreg $0xFFFFFFFF  }
0xa7: {  	s28 =	simm.s32 $_size_execute0_lowered;
	s2 =	sadd.s32 s2, s4;
	[dreg:$0x0] =	wrdreg $0x0  }
0xa8: {  	s4 =	sshll.u32 s28, $0x1;
	[dreg:$0x2] =	wrdreg s2  }
0xa9: {  	[dreg:$0x3] =	wrdreg s4  }
0xaa: {  	[dreg:$0x4] =	wrdreg $0xC0  }
0xab: {  	_ =	task [dreg:s6], $0x5FFFF  }
0xac: {  	[dreg:$0x1] =	wrdreg $0xFFFFFFFF  }
0xad: {  	[dreg:$0x0] =	wrdreg $0x60  }
0xae: {  	[dreg:$0x2] =	wrdreg s24  }
0xaf: {  	[dreg:$0x3] =	wrdreg $0x9  }
0xb0: {  	_ =	task.clear_ibuf [dreg:s6], $0x4FFFF;
	_ =	strace $0x90000046  }
0xb1: {  	s29 =	simm.s32 $0x9;
	_ =	strace $0x80000048  }
0xb2: {  	_ =	swait.ge [sflag:s29], $0x1  }
0xb3: {  	[sflag:s29] =	ssyncadd.s32 $0xFFFFFFFF  }
0xb4: {  	_ =	strace $0x90000048  }
0xb5: {  	_ =	sfence  }
0xb6: {  	s30 =	sld [smem:$0x0];
	_ =	sdelay $0x2  }
0xb7: {  	s31 =	sshll.u32 s1, $0xD;
	s1 =	sshrl.u32 s1, $0x2  }
0xb8: {  	s3 =	sand.u32 $0x4000, s31;
	s1 =	sadd.s32 s1, s30  }
0xb9: {  	s0 =	sor.u32 s3, s0;
	s1 =	sshll.u32 s1, $0x11  }
0xba: {  	s0 =	sor.u32 s1, s0  }
0xbb: {  	s0 =	sadd.s32 $0x8F2B, s0  }
0xbc: {  	[sflag:s0] =	ssyncadd.remote.s32 $0x1  }
0xbd: {  	_ =	sfence.sel $0xFFFF  }
0xbe: {  	[dreg:$0x0] =	wrdreg $0xFFFFFFFF;
	(pc) =	sbr.abs _section_cstart, $3  }
0xbf: {  	[dreg:$0x1] =	wrdreg $0xFFFFFFFF  }
0xc0: {  	_ =	task.clear_ibuf [dreg:s6], $0x2FFFF;
	_ =	strace $0x9FFFFFFF  }
0xc1: {  	(tm) =	ssettm $0x7FFFFFFF  }
tec
execute0_lowered:
.L_overlay_start_1:
0x0: {  	(tag) =	ssettag $0x1  }
0x1: {  	s3 =	rddreg [dreg:$0x0]  }
0x2: {  	s2 =	simm.s32 $0x0;
	s4 =	srdreg.scid;
	s1 =	stileid.u32  }
0x3: {  	[smem:$0x7FF] =	sst s2;
	s4 =	sand.u32 $0x1, s4;
	s5 =	sshll.u32 s1, $0x1  }
0x4: {  	s0 =	rddreg [dreg:$0x1];
	_ =	strace $0x80000047;
	s5 =	sor.u32 s4, s5  }
0x5: {  	s4 =	ssub.s32 $0x2, s4;
	s6 =	sshll.u32 s5, $0x8;
	s5 =	sshll.u32 s5, $0x5  }
0x6: {  	s31 =	sshrl.u32 s4, $0x1;
	s6 =	sadd.s32 s6, s3;
	s5 =	sadd.s32 s5, s3  }
0x7: {  	s7 =	ssub.s32 s4, s31;
	s3 =	sadd.s32 $0x3400, s6;
	s4 =	sadd.s32 $0x5400, s5  }
0x8: {  	v0 =	vimm.f32 $0.0e+00;
	v1 =	vimm.f32 $1.000000000e+00;
	s5 =	smax.u32 s7, $0x1;
	s6 =	simm.s32 $0x1;
	s7 =	simm.s32 $0x800  }
.LBB2_1:
0x9: {  	[tilespmem:s2], [sflag:$0x1] =	stream.linear.gather [hbm4b:s3+s2], $0x800, $0x38;
	[tilespmem:$0x900] =	vst v63  }
0xa: {  	_ =	swait.ge [sflag:s6], $0x800  }
0xb: {  	[sflag:s6] =	ssyncset.done $0x0  }
0xc: {  	[sflag:s6] =	ssyncadd.s32 $0xFFFFF800  }
0xd: {  	[tilespmem:$0x800] =	vst v0  }
0xe: {  	[tilespmem:$0x810] =	vst v0  }
0xf: {  	[tilespmem:$0x820] =	vst v0  }
0x10: {  	[tilespmem:$0x830] =	vst v0  }
0x11: {  	[tilespmem:$0x840] =	vst v0  }
0x12: {  	[tilespmem:$0x850] =	vst v0  }
0x13: {  	[tilespmem:$0x860] =	vst v0  }
0x14: {  	[tilespmem:$0x870] =	vst v0  }
0x15: {  	[tilespmem:$0x880] =	vst v0;
	v2 =	vld [tilespmem:$0x0]  }
0x16: {  	[tilespmem:$0x890] =	vst v0  }
0x17: {  	[tilespmem:$0x8A0] =	vst v0  }
0x18: {  	[tilespmem:$0x8B0] =	vst v0  }
0x19: {  	[tilespmem:$0x8C0] =	vst v0  }
0x1a: {  	[tilespmem:$0x8D0] =	vst v0  }
0x1b: {  	[tilespmem:$0x8E0] =	vst v0  }
0x1c: {  	[tilespmem:$0x8F0] =	vst v0  }
0x1d: {  	[tilespmem:v2+s7+$0x0] =	vst.idx.add.f32.msk $0xffff, v1  }
0x1e: {  	v2 =	vld [tilespmem:$0x10];
	_ =	sdelay $0x7  }
0x1f: {  	[tilespmem:v2+s7+$0x0] =	vst.idx.add.f32.msk $0xffff, v1  }
0x20: {  	v2 =	vld [tilespmem:$0x20];
	_ =	sdelay $0x7  }
0x21: {  	[tilespmem:v2+s7+$0x0] =	vst.idx.add.f32.msk $0xffff, v1  }
0x22: {  	v2 =	vld [tilespmem:$0x30];
	_ =	sdelay $0x7  }
0x23: {  	[tilespmem:v2+s7+$0x0] =	vst.idx.add.f32.msk $0xffff, v1  }
0x24: {  	v2 =	vld [tilespmem:$0x40];
	_ =	sdelay $0x7  }
0x25: {  	[tilespmem:v2+s7+$0x0] =	vst.idx.add.f32.msk $0xffff, v1  }
0x26: {  	v2 =	vld [tilespmem:$0x50];
	_ =	sdelay $0x7  }
0x27: {  	[tilespmem:v2+s7+$0x0] =	vst.idx.add.f32.msk $0xffff, v1  }
0x28: {  	v2 =	vld [tilespmem:$0x60];
	_ =	sdelay $0x7  }
0x29: {  	[tilespmem:v2+s7+$0x0] =	vst.idx.add.f32.msk $0xffff, v1  }
0x2a: {  	v2 =	vld [tilespmem:$0x70];
	_ =	sdelay $0x7  }
0x2b: {  	[tilespmem:v2+s7+$0x0] =	vst.idx.add.f32.msk $0xffff, v1  }
0x2c: {  	v2 =	vld [tilespmem:$0x80];
	_ =	sdelay $0x7  }
0x2d: {  	[tilespmem:v2+s7+$0x0] =	vst.idx.add.f32.msk $0xffff, v1  }
0x2e: {  	v2 =	vld [tilespmem:$0x90];
	_ =	sdelay $0x7  }
0x2f: {  	[tilespmem:v2+s7+$0x0] =	vst.idx.add.f32.msk $0xffff, v1  }
0x30: {  	v2 =	vld [tilespmem:$0xA0];
	_ =	sdelay $0x7  }
0x31: {  	[tilespmem:v2+s7+$0x0] =	vst.idx.add.f32.msk $0xffff, v1  }
0x32: {  	v2 =	vld [tilespmem:$0xB0];
	_ =	sdelay $0x7  }
0x33: {  	[tilespmem:v2+s7+$0x0] =	vst.idx.add.f32.msk $0xffff, v1  }
0x34: {  	v2 =	vld [tilespmem:$0xC0];
	_ =	sdelay $0x7  }
0x35: {  	[tilespmem:v2+s7+$0x0] =	vst.idx.add.f32.msk $0xffff, v1  }
0x36: {  	v2 =	vld [tilespmem:$0xD0];
	_ =	sdelay $0x7  }
0x37: {  	[tilespmem:v2+s7+$0x0] =	vst.idx.add.f32.msk $0xffff, v1  }
0x38: {  	v2 =	vld [tilespmem:$0xE0];
	_ =	sdelay $0x7  }
0x39: {  	[tilespmem:v2+s7+$0x0] =	vst.idx.add.f32.msk $0xffff, v1  }
0x3a: {  	v2 =	vld [tilespmem:$0xF0];
	_ =	sdelay $0x7  }
0x3b: {  	[tilespmem:v2+s7+$0x0] =	vst.idx.add.f32.msk $0xffff, v1  }
0x3c: {  	v2 =	vld [tilespmem:$0x100];
	_ =	sdelay $0x7  }
0x3d: {  	[tilespmem:v2+s7+$0x0] =	vst.idx.add.f32.msk $0xffff, v1  }
0x3e: {  	v2 =	vld [tilespmem:$0x110];
	_ =	sdelay $0x7  }
0x3f: {  	[tilespmem:v2+s7+$0x0] =	vst.idx.add.f32.msk $0xffff, v1  }
0x40: {  	v2 =	vld [tilespmem:$0x120];
	_ =	sdelay $0x7  }
0x41: {  	[tilespmem:v2+s7+$0x0] =	vst.idx.add.f32.msk $0xffff, v1  }
0x42: {  	v2 =	vld [tilespmem:$0x130];
	_ =	sdelay $0x7  }
0x43: {  	[tilespmem:v2+s7+$0x0] =	vst.idx.add.f32.msk $0xffff, v1  }
0x44: {  	v2 =	vld [tilespmem:$0x140];
	_ =	sdelay $0x7  }
0x45: {  	[tilespmem:v2+s7+$0x0] =	vst.idx.add.f32.msk $0xffff, v1  }
0x46: {  	v2 =	vld [tilespmem:$0x150];
	_ =	sdelay $0x7  }
0x47: {  	[tilespmem:v2+s7+$0x0] =	vst.idx.add.f32.msk $0xffff, v1  }
0x48: {  	v2 =	vld [tilespmem:$0x160];
	_ =	sdelay $0x7  }
0x49: {  	[tilespmem:v2+s7+$0x0] =	vst.idx.add.f32.msk $0xffff, v1  }
0x4a: {  	v2 =	vld [tilespmem:$0x170];
	_ =	sdelay $0x7  }
0x4b: {  	[tilespmem:v2+s7+$0x0] =	vst.idx.add.f32.msk $0xffff, v1  }
0x4c: {  	v2 =	vld [tilespmem:$0x180];
	_ =	sdelay $0x7  }
0x4d: {  	[tilespmem:v2+s7+$0x0] =	vst.idx.add.f32.msk $0xffff, v1  }
0x4e: {  	v2 =	vld [tilespmem:$0x190];
	_ =	sdelay $0x7  }
0x4f: {  	[tilespmem:v2+s7+$0x0] =	vst.idx.add.f32.msk $0xffff, v1  }
0x50: {  	v2 =	vld [tilespmem:$0x1A0];
	_ =	sdelay $0x7  }
0x51: {  	[tilespmem:v2+s7+$0x0] =	vst.idx.add.f32.msk $0xffff, v1  }
0x52: {  	v2 =	vld [tilespmem:$0x1B0];
	_ =	sdelay $0x7  }
0x53: {  	[tilespmem:v2+s7+$0x0] =	vst.idx.add.f32.msk $0xffff, v1  }
0x54: {  	v2 =	vld [tilespmem:$0x1C0];
	_ =	sdelay $0x7  }
0x55: {  	[tilespmem:v2+s7+$0x0] =	vst.idx.add.f32.msk $0xffff, v1  }
0x56: {  	v2 =	vld [tilespmem:$0x1D0];
	_ =	sdelay $0x7  }
0x57: {  	[tilespmem:v2+s7+$0x0] =	vst.idx.add.f32.msk $0xffff, v1  }
0x58: {  	v2 =	vld [tilespmem:$0x1E0];
	_ =	sdelay $0x7  }
0x59: {  	[tilespmem:v2+s7+$0x0] =	vst.idx.add.f32.msk $0xffff, v1  }
0x5a: {  	v2 =	vld [tilespmem:$0x1F0];
	_ =	sdelay $0x7  }
0x5b: {  	[tilespmem:v2+s7+$0x0] =	vst.idx.add.f32.msk $0xffff, v1  }
0x5c: {  	v2 =	vld [tilespmem:$0x200];
	_ =	sdelay $0x4  }
0x5d: {  	v2 =	vadd.s32 $0x40, v2;
	_ =	sdelay $0x4  }
0x5e: {  	[tilespmem:v2+s7+$0x0] =	vst.idx.add.f32.msk $0xffff, v1  }
0x5f: {  	v2 =	vld [tilespmem:$0x210];
	_ =	sdelay $0x4  }
0x60: {  	v2 =	vadd.s32 $0x40, v2;
	_ =	sdelay $0x4  }
0x61: {  	[tilespmem:v2+s7+$0x0] =	vst.idx.add.f32.msk $0xffff, v1  }
0x62: {  	v2 =	vld [tilespmem:$0x220];
	_ =	sdelay $0x4  }
0x63: {  	v2 =	vadd.s32 $0x40, v2;
	_ =	sdelay $0x4  }
0x64: {  	[tilespmem:v2+s7+$0x0] =	vst.idx.add.f32.msk $0xffff, v1  }
0x65: {  	v2 =	vld [tilespmem:$0x230];
	_ =	sdelay $0x4  }
0x66: {  	v2 =	vadd.s32 $0x40, v2;
	_ =	sdelay $0x4  }
0x67: {  	[tilespmem:v2+s7+$0x0] =	vst.idx.add.f32.msk $0xffff, v1  }
0x68: {  	v2 =	vld [tilespmem:$0x240];
	_ =	sdelay $0x4  }
0x69: {  	v2 =	vadd.s32 $0x40, v2;
	_ =	sdelay $0x4  }
0x6a: {  	[tilespmem:v2+s7+$0x0] =	vst.idx.add.f32.msk $0xffff, v1  }
0x6b: {  	v2 =	vld [tilespmem:$0x250];
	_ =	sdelay $0x4  }
0x6c: {  	v2 =	vadd.s32 $0x40, v2;
	_ =	sdelay $0x4  }
0x6d: {  	[tilespmem:v2+s7+$0x0] =	vst.idx.add.f32.msk $0xffff, v1  }
0x6e: {  	v2 =	vld [tilespmem:$0x260];
	_ =	sdelay $0x4  }
0x6f: {  	v2 =	vadd.s32 $0x40, v2;
	_ =	sdelay $0x4  }
0x70: {  	[tilespmem:v2+s7+$0x0] =	vst.idx.add.f32.msk $0xffff, v1  }
0x71: {  	v2 =	vld [tilespmem:$0x270];
	_ =	sdelay $0x4  }
0x72: {  	v2 =	vadd.s32 $0x40, v2;
	_ =	sdelay $0x4  }
0x73: {  	[tilespmem:v2+s7+$0x0] =	vst.idx.add.f32.msk $0xffff, v1  }
0x74: {  	v2 =	vld [tilespmem:$0x280];
	_ =	sdelay $0x4  }
0x75: {  	v2 =	vadd.s32 $0x40, v2;
	_ =	sdelay $0x4  }
0x76: {  	[tilespmem:v2+s7+$0x0] =	vst.idx.add.f32.msk $0xffff, v1  }
0x77: {  	v2 =	vld [tilespmem:$0x290];
	_ =	sdelay $0x4  }
0x78: {  	v2 =	vadd.s32 $0x40, v2;
	_ =	sdelay $0x4  }
0x79: {  	[tilespmem:v2+s7+$0x0] =	vst.idx.add.f32.msk $0xffff, v1  }
0x7a: {  	v2 =	vld [tilespmem:$0x2A0];
	_ =	sdelay $0x4  }
0x7b: {  	v2 =	vadd.s32 $0x40, v2;
	_ =	sdelay $0x4  }
0x7c: {  	[tilespmem:v2+s7+$0x0] =	vst.idx.add.f32.msk $0xffff, v1  }
0x7d: {  	v2 =	vld [tilespmem:$0x2B0];
	_ =	sdelay $0x4  }
0x7e: {  	v2 =	vadd.s32 $0x40, v2;
	_ =	sdelay $0x4  }
0x7f: {  	[tilespmem:v2+s7+$0x0] =	vst.idx.add.f32.msk $0xffff, v1  }
0x80: {  	v2 =	vld [tilespmem:$0x2C0];
	_ =	sdelay $0x4  }
0x81: {  	v2 =	vadd.s32 $0x40, v2;
	_ =	sdelay $0x4  }
0x82: {  	[tilespmem:v2+s7+$0x0] =	vst.idx.add.f32.msk $0xffff, v1  }
0x83: {  	v2 =	vld [tilespmem:$0x2D0];
	_ =	sdelay $0x4  }
0x84: {  	v2 =	vadd.s32 $0x40, v2;
	_ =	sdelay $0x4  }
0x85: {  	[tilespmem:v2+s7+$0x0] =	vst.idx.add.f32.msk $0xffff, v1  }
0x86: {  	v2 =	vld [tilespmem:$0x2E0];
	_ =	sdelay $0x4  }
0x87: {  	v2 =	vadd.s32 $0x40, v2;
	_ =	sdelay $0x4  }
0x88: {  	[tilespmem:v2+s7+$0x0] =	vst.idx.add.f32.msk $0xffff, v1  }
0x89: {  	v2 =	vld [tilespmem:$0x2F0];
	_ =	sdelay $0x4  }
0x8a: {  	v2 =	vadd.s32 $0x40, v2;
	_ =	sdelay $0x4  }
0x8b: {  	[tilespmem:v2+s7+$0x0] =	vst.idx.add.f32.msk $0xffff, v1  }
0x8c: {  	v2 =	vld [tilespmem:$0x300];
	_ =	sdelay $0x4  }
0x8d: {  	v2 =	vadd.s32 $0x40, v2;
	_ =	sdelay $0x4  }
0x8e: {  	[tilespmem:v2+s7+$0x0] =	vst.idx.add.f32.msk $0xffff, v1  }
0x8f: {  	v2 =	vld [tilespmem:$0x310];
	_ =	sdelay $0x4  }
0x90: {  	v2 =	vadd.s32 $0x40, v2;
	_ =	sdelay $0x4  }
0x91: {  	[tilespmem:v2+s7+$0x0] =	vst.idx.add.f32.msk $0xffff, v1  }
0x92: {  	v2 =	vld [tilespmem:$0x320];
	_ =	sdelay $0x4  }
0x93: {  	v2 =	vadd.s32 $0x40, v2;
	_ =	sdelay $0x4  }
0x94: {  	[tilespmem:v2+s7+$0x0] =	vst.idx.add.f32.msk $0xffff, v1  }
0x95: {  	v2 =	vld [tilespmem:$0x330];
	_ =	sdelay $0x4  }
0x96: {  	v2 =	vadd.s32 $0x40, v2;
	_ =	sdelay $0x4  }
0x97: {  	[tilespmem:v2+s7+$0x0] =	vst.idx.add.f32.msk $0xffff, v1  }
0x98: {  	v2 =	vld [tilespmem:$0x340];
	_ =	sdelay $0x4  }
0x99: {  	v2 =	vadd.s32 $0x40, v2;
	_ =	sdelay $0x4  }
0x9a: {  	[tilespmem:v2+s7+$0x0] =	vst.idx.add.f32.msk $0xffff, v1  }
0x9b: {  	v2 =	vld [tilespmem:$0x350];
	_ =	sdelay $0x4  }
0x9c: {  	v2 =	vadd.s32 $0x40, v2;
	_ =	sdelay $0x4  }
0x9d: {  	[tilespmem:v2+s7+$0x0] =	vst.idx.add.f32.msk $0xffff, v1  }
0x9e: {  	v2 =	vld [tilespmem:$0x360];
	_ =	sdelay $0x4  }
0x9f: {  	v2 =	vadd.s32 $0x40, v2;
	_ =	sdelay $0x4  }
0xa0: {  	[tilespmem:v2+s7+$0x0] =	vst.idx.add.f32.msk $0xffff, v1  }
0xa1: {  	v2 =	vld [tilespmem:$0x370];
	_ =	sdelay $0x4  }
0xa2: {  	v2 =	vadd.s32 $0x40, v2;
	_ =	sdelay $0x4  }
0xa3: {  	[tilespmem:v2+s7+$0x0] =	vst.idx.add.f32.msk $0xffff, v1  }
0xa4: {  	v2 =	vld [tilespmem:$0x380];
	_ =	sdelay $0x4  }
0xa5: {  	v2 =	vadd.s32 $0x40, v2;
	_ =	sdelay $0x4  }
0xa6: {  	[tilespmem:v2+s7+$0x0] =	vst.idx.add.f32.msk $0xffff, v1  }
0xa7: {  	v2 =	vld [tilespmem:$0x390];
	_ =	sdelay $0x4  }
0xa8: {  	v2 =	vadd.s32 $0x40, v2;
	_ =	sdelay $0x4  }
0xa9: {  	[tilespmem:v2+s7+$0x0] =	vst.idx.add.f32.msk $0xffff, v1  }
0xaa: {  	v2 =	vld [tilespmem:$0x3A0];
	_ =	sdelay $0x4  }
0xab: {  	v2 =	vadd.s32 $0x40, v2;
	_ =	sdelay $0x4  }
0xac: {  	[tilespmem:v2+s7+$0x0] =	vst.idx.add.f32.msk $0xffff, v1  }
0xad: {  	v2 =	vld [tilespmem:$0x3B0];
	_ =	sdelay $0x4  }
0xae: {  	v2 =	vadd.s32 $0x40, v2;
	_ =	sdelay $0x4  }
0xaf: {  	[tilespmem:v2+s7+$0x0] =	vst.idx.add.f32.msk $0xffff, v1  }
0xb0: {  	v2 =	vld [tilespmem:$0x3C0];
	_ =	sdelay $0x4  }
0xb1: {  	v2 =	vadd.s32 $0x40, v2;
	_ =	sdelay $0x4  }
0xb2: {  	[tilespmem:v2+s7+$0x0] =	vst.idx.add.f32.msk $0xffff, v1  }
0xb3: {  	v2 =	vld [tilespmem:$0x3D0];
	_ =	sdelay $0x4  }
0xb4: {  	v2 =	vadd.s32 $0x40, v2;
	_ =	sdelay $0x4  }
0xb5: {  	[tilespmem:v2+s7+$0x0] =	vst.idx.add.f32.msk $0xffff, v1  }
0xb6: {  	v2 =	vld [tilespmem:$0x3E0];
	_ =	sdelay $0x4  }
0xb7: {  	v2 =	vadd.s32 $0x40, v2;
	_ =	sdelay $0x4  }
0xb8: {  	[tilespmem:v2+s7+$0x0] =	vst.idx.add.f32.msk $0xffff, v1  }
0xb9: {  	v2 =	vld [tilespmem:$0x3F0];
	_ =	sdelay $0x4  }
0xba: {  	v2 =	vadd.s32 $0x40, v2;
	_ =	sdelay $0x4  }
0xbb: {  	[tilespmem:v2+s7+$0x0] =	vst.idx.add.f32.msk $0xffff, v1  }
0xbc: {  	v2 =	vld [tilespmem:$0x400];
	_ =	sdelay $0x4  }
0xbd: {  	v2 =	vadd.s32 $0x80, v2;
	_ =	sdelay $0x4  }
0xbe: {  	[tilespmem:v2+s7+$0x0] =	vst.idx.add.f32.msk $0xffff, v1  }
0xbf: {  	v2 =	vld [tilespmem:$0x410];
	_ =	sdelay $0x4  }
0xc0: {  	v2 =	vadd.s32 $0x80, v2;
	_ =	sdelay $0x4  }
0xc1: {  	[tilespmem:v2+s7+$0x0] =	vst.idx.add.f32.msk $0xffff, v1  }
0xc2: {  	v2 =	vld [tilespmem:$0x420];
	_ =	sdelay $0x4  }
0xc3: {  	v2 =	vadd.s32 $0x80, v2;
	_ =	sdelay $0x4  }
0xc4: {  	[tilespmem:v2+s7+$0x0] =	vst.idx.add.f32.msk $0xffff, v1  }
0xc5: {  	v2 =	vld [tilespmem:$0x430];
	_ =	sdelay $0x4  }
0xc6: {  	v2 =	vadd.s32 $0x80, v2;
	_ =	sdelay $0x4  }
0xc7: {  	[tilespmem:v2+s7+$0x0] =	vst.idx.add.f32.msk $0xffff, v1  }
0xc8: {  	v2 =	vld [tilespmem:$0x440];
	_ =	sdelay $0x4  }
0xc9: {  	v2 =	vadd.s32 $0x80, v2;
	_ =	sdelay $0x4  }
0xca: {  	[tilespmem:v2+s7+$0x0] =	vst.idx.add.f32.msk $0xffff, v1  }
0xcb: {  	v2 =	vld [tilespmem:$0x450];
	_ =	sdelay $0x4  }
0xcc: {  	v2 =	vadd.s32 $0x80, v2;
	_ =	sdelay $0x4  }
0xcd: {  	[tilespmem:v2+s7+$0x0] =	vst.idx.add.f32.msk $0xffff, v1  }
0xce: {  	v2 =	vld [tilespmem:$0x460];
	_ =	sdelay $0x4  }
0xcf: {  	v2 =	vadd.s32 $0x80, v2;
	_ =	sdelay $0x4  }
0xd0: {  	[tilespmem:v2+s7+$0x0] =	vst.idx.add.f32.msk $0xffff, v1  }
0xd1: {  	v2 =	vld [tilespmem:$0x470];
	_ =	sdelay $0x4  }
0xd2: {  	v2 =	vadd.s32 $0x80, v2;
	_ =	sdelay $0x4  }
0xd3: {  	[tilespmem:v2+s7+$0x0] =	vst.idx.add.f32.msk $0xffff, v1  }
0xd4: {  	v2 =	vld [tilespmem:$0x480];
	_ =	sdelay $0x4  }
0xd5: {  	v2 =	vadd.s32 $0x80, v2;
	_ =	sdelay $0x4  }
0xd6: {  	[tilespmem:v2+s7+$0x0] =	vst.idx.add.f32.msk $0xffff, v1  }
0xd7: {  	v2 =	vld [tilespmem:$0x490];
	_ =	sdelay $0x4  }
0xd8: {  	v2 =	vadd.s32 $0x80, v2;
	_ =	sdelay $0x4  }
0xd9: {  	[tilespmem:v2+s7+$0x0] =	vst.idx.add.f32.msk $0xffff, v1  }
0xda: {  	v2 =	vld [tilespmem:$0x4A0];
	_ =	sdelay $0x4  }
0xdb: {  	v2 =	vadd.s32 $0x80, v2;
	_ =	sdelay $0x4  }
0xdc: {  	[tilespmem:v2+s7+$0x0] =	vst.idx.add.f32.msk $0xffff, v1  }
0xdd: {  	v2 =	vld [tilespmem:$0x4B0];
	_ =	sdelay $0x4  }
0xde: {  	v2 =	vadd.s32 $0x80, v2;
	_ =	sdelay $0x4  }
0xdf: {  	[tilespmem:v2+s7+$0x0] =	vst.idx.add.f32.msk $0xffff, v1  }
0xe0: {  	v2 =	vld [tilespmem:$0x4C0];
	_ =	sdelay $0x4  }
0xe1: {  	v2 =	vadd.s32 $0x80, v2;
	_ =	sdelay $0x4  }
0xe2: {  	[tilespmem:v2+s7+$0x0] =	vst.idx.add.f32.msk $0xffff, v1  }
0xe3: {  	v2 =	vld [tilespmem:$0x4D0];
	_ =	sdelay $0x4  }
0xe4: {  	v2 =	vadd.s32 $0x80, v2;
	_ =	sdelay $0x4  }
0xe5: {  	[tilespmem:v2+s7+$0x0] =	vst.idx.add.f32.msk $0xffff, v1  }
0xe6: {  	v2 =	vld [tilespmem:$0x4E0];
	_ =	sdelay $0x4  }
0xe7: {  	v2 =	vadd.s32 $0x80, v2;
	_ =	sdelay $0x4  }
0xe8: {  	[tilespmem:v2+s7+$0x0] =	vst.idx.add.f32.msk $0xffff, v1  }
0xe9: {  	v2 =	vld [tilespmem:$0x4F0];
	_ =	sdelay $0x4  }
0xea: {  	v2 =	vadd.s32 $0x80, v2;
	_ =	sdelay $0x4  }
0xeb: {  	[tilespmem:v2+s7+$0x0] =	vst.idx.add.f32.msk $0xffff, v1  }
0xec: {  	v2 =	vld [tilespmem:$0x500];
	_ =	sdelay $0x4  }
0xed: {  	v2 =	vadd.s32 $0x80, v2;
	_ =	sdelay $0x4  }
0xee: {  	[tilespmem:v2+s7+$0x0] =	vst.idx.add.f32.msk $0xffff, v1  }
0xef: {  	v2 =	vld [tilespmem:$0x510];
	_ =	sdelay $0x4  }
0xf0: {  	v2 =	vadd.s32 $0x80, v2;
	_ =	sdelay $0x4  }
0xf1: {  	[tilespmem:v2+s7+$0x0] =	vst.idx.add.f32.msk $0xffff, v1  }
0xf2: {  	v2 =	vld [tilespmem:$0x520];
	_ =	sdelay $0x4  }
0xf3: {  	v2 =	vadd.s32 $0x80, v2;
	_ =	sdelay $0x4  }
0xf4: {  	[tilespmem:v2+s7+$0x0] =	vst.idx.add.f32.msk $0xffff, v1  }
0xf5: {  	v2 =	vld [tilespmem:$0x530];
	_ =	sdelay $0x4  }
0xf6: {  	v2 =	vadd.s32 $0x80, v2;
	_ =	sdelay $0x4  }
0xf7: {  	[tilespmem:v2+s7+$0x0] =	vst.idx.add.f32.msk $0xffff, v1  }
0xf8: {  	v2 =	vld [tilespmem:$0x540];
	_ =	sdelay $0x4  }
0xf9: {  	v2 =	vadd.s32 $0x80, v2;
	_ =	sdelay $0x4  }
0xfa: {  	[tilespmem:v2+s7+$0x0] =	vst.idx.add.f32.msk $0xffff, v1  }
0xfb: {  	v2 =	vld [tilespmem:$0x550];
	_ =	sdelay $0x4  }
0xfc: {  	v2 =	vadd.s32 $0x80, v2;
	_ =	sdelay $0x4  }
0xfd: {  	[tilespmem:v2+s7+$0x0] =	vst.idx.add.f32.msk $0xffff, v1  }
0xfe: {  	v2 =	vld [tilespmem:$0x560];
	_ =	sdelay $0x4  }
0xff: {  	v2 =	vadd.s32 $0x80, v2;
	_ =	sdelay $0x4  }
0x100: {  	[tilespmem:v2+s7+$0x0] =	vst.idx.add.f32.msk $0xffff, v1  }
0x101: {  	v2 =	vld [tilespmem:$0x570];
	_ =	sdelay $0x4  }
0x102: {  	v2 =	vadd.s32 $0x80, v2;
	_ =	sdelay $0x4  }
0x103: {  	[tilespmem:v2+s7+$0x0] =	vst.idx.add.f32.msk $0xffff, v1  }
0x104: {  	v2 =	vld [tilespmem:$0x580];
	_ =	sdelay $0x4  }
0x105: {  	v2 =	vadd.s32 $0x80, v2;
	_ =	sdelay $0x4  }
0x106: {  	[tilespmem:v2+s7+$0x0] =	vst.idx.add.f32.msk $0xffff, v1  }
0x107: {  	v2 =	vld [tilespmem:$0x590];
	_ =	sdelay $0x4  }
0x108: {  	v2 =	vadd.s32 $0x80, v2;
	_ =	sdelay $0x4  }
0x109: {  	[tilespmem:v2+s7+$0x0] =	vst.idx.add.f32.msk $0xffff, v1  }
0x10a: {  	v2 =	vld [tilespmem:$0x5A0];
	_ =	sdelay $0x4  }
0x10b: {  	v2 =	vadd.s32 $0x80, v2;
	_ =	sdelay $0x4  }
0x10c: {  	[tilespmem:v2+s7+$0x0] =	vst.idx.add.f32.msk $0xffff, v1  }
0x10d: {  	v2 =	vld [tilespmem:$0x5B0];
	_ =	sdelay $0x4  }
0x10e: {  	v2 =	vadd.s32 $0x80, v2;
	_ =	sdelay $0x4  }
0x10f: {  	[tilespmem:v2+s7+$0x0] =	vst.idx.add.f32.msk $0xffff, v1  }
0x110: {  	v2 =	vld [tilespmem:$0x5C0];
	_ =	sdelay $0x4  }
0x111: {  	v2 =	vadd.s32 $0x80, v2;
	_ =	sdelay $0x4  }
0x112: {  	[tilespmem:v2+s7+$0x0] =	vst.idx.add.f32.msk $0xffff, v1  }
0x113: {  	v2 =	vld [tilespmem:$0x5D0];
	_ =	sdelay $0x4  }
0x114: {  	v2 =	vadd.s32 $0x80, v2;
	_ =	sdelay $0x4  }
0x115: {  	[tilespmem:v2+s7+$0x0] =	vst.idx.add.f32.msk $0xffff, v1  }
0x116: {  	v2 =	vld [tilespmem:$0x5E0];
	_ =	sdelay $0x4  }
0x117: {  	v2 =	vadd.s32 $0x80, v2;
	_ =	sdelay $0x4  }
0x118: {  	[tilespmem:v2+s7+$0x0] =	vst.idx.add.f32.msk $0xffff, v1  }
0x119: {  	v2 =	vld [tilespmem:$0x5F0];
	_ =	sdelay $0x4  }
0x11a: {  	v2 =	vadd.s32 $0x80, v2;
	_ =	sdelay $0x4  }
0x11b: {  	[tilespmem:v2+s7+$0x0] =	vst.idx.add.f32.msk $0xffff, v1  }
0x11c: {  	v2 =	vld [tilespmem:$0x600];
	_ =	sdelay $0x4  }
0x11d: {  	v2 =	vadd.s32 $0xC0, v2;
	_ =	sdelay $0x4  }
0x11e: {  	[tilespmem:v2+s7+$0x0] =	vst.idx.add.f32.msk $0xffff, v1  }
0x11f: {  	v2 =	vld [tilespmem:$0x610];
	_ =	sdelay $0x4  }
0x120: {  	v2 =	vadd.s32 $0xC0, v2;
	_ =	sdelay $0x4  }
0x121: {  	[tilespmem:v2+s7+$0x0] =	vst.idx.add.f32.msk $0xffff, v1  }
0x122: {  	v2 =	vld [tilespmem:$0x620];
	_ =	sdelay $0x4  }
0x123: {  	v2 =	vadd.s32 $0xC0, v2;
	_ =	sdelay $0x4  }
0x124: {  	[tilespmem:v2+s7+$0x0] =	vst.idx.add.f32.msk $0xffff, v1  }
0x125: {  	v2 =	vld [tilespmem:$0x630];
	_ =	sdelay $0x4  }
0x126: {  	v2 =	vadd.s32 $0xC0, v2;
	_ =	sdelay $0x4  }
0x127: {  	[tilespmem:v2+s7+$0x0] =	vst.idx.add.f32.msk $0xffff, v1  }
0x128: {  	v2 =	vld [tilespmem:$0x640];
	_ =	sdelay $0x4  }
0x129: {  	v2 =	vadd.s32 $0xC0, v2;
	_ =	sdelay $0x4  }
0x12a: {  	[tilespmem:v2+s7+$0x0] =	vst.idx.add.f32.msk $0xffff, v1  }
0x12b: {  	v2 =	vld [tilespmem:$0x650];
	_ =	sdelay $0x4  }
0x12c: {  	v2 =	vadd.s32 $0xC0, v2;
	_ =	sdelay $0x4  }
0x12d: {  	[tilespmem:v2+s7+$0x0] =	vst.idx.add.f32.msk $0xffff, v1  }
0x12e: {  	v2 =	vld [tilespmem:$0x660];
	_ =	sdelay $0x4  }
0x12f: {  	v2 =	vadd.s32 $0xC0, v2;
	_ =	sdelay $0x4  }
0x130: {  	[tilespmem:v2+s7+$0x0] =	vst.idx.add.f32.msk $0xffff, v1  }
0x131: {  	v2 =	vld [tilespmem:$0x670];
	_ =	sdelay $0x4  }
0x132: {  	v2 =	vadd.s32 $0xC0, v2;
	_ =	sdelay $0x4  }
0x133: {  	[tilespmem:v2+s7+$0x0] =	vst.idx.add.f32.msk $0xffff, v1  }
0x134: {  	v2 =	vld [tilespmem:$0x680];
	_ =	sdelay $0x4  }
0x135: {  	v2 =	vadd.s32 $0xC0, v2;
	_ =	sdelay $0x4  }
0x136: {  	[tilespmem:v2+s7+$0x0] =	vst.idx.add.f32.msk $0xffff, v1  }
0x137: {  	v2 =	vld [tilespmem:$0x690];
	_ =	sdelay $0x4  }
0x138: {  	v2 =	vadd.s32 $0xC0, v2;
	_ =	sdelay $0x4  }
0x139: {  	[tilespmem:v2+s7+$0x0] =	vst.idx.add.f32.msk $0xffff, v1  }
0x13a: {  	v2 =	vld [tilespmem:$0x6A0];
	_ =	sdelay $0x4  }
0x13b: {  	v2 =	vadd.s32 $0xC0, v2;
	_ =	sdelay $0x4  }
0x13c: {  	[tilespmem:v2+s7+$0x0] =	vst.idx.add.f32.msk $0xffff, v1  }
0x13d: {  	v2 =	vld [tilespmem:$0x6B0];
	_ =	sdelay $0x4  }
0x13e: {  	v2 =	vadd.s32 $0xC0, v2;
	_ =	sdelay $0x4  }
0x13f: {  	[tilespmem:v2+s7+$0x0] =	vst.idx.add.f32.msk $0xffff, v1  }
0x140: {  	v2 =	vld [tilespmem:$0x6C0];
	_ =	sdelay $0x4  }
0x141: {  	v2 =	vadd.s32 $0xC0, v2;
	_ =	sdelay $0x4  }
0x142: {  	[tilespmem:v2+s7+$0x0] =	vst.idx.add.f32.msk $0xffff, v1  }
0x143: {  	v2 =	vld [tilespmem:$0x6D0];
	_ =	sdelay $0x4  }
0x144: {  	v2 =	vadd.s32 $0xC0, v2;
	_ =	sdelay $0x4  }
0x145: {  	[tilespmem:v2+s7+$0x0] =	vst.idx.add.f32.msk $0xffff, v1  }
0x146: {  	v2 =	vld [tilespmem:$0x6E0];
	_ =	sdelay $0x4  }
0x147: {  	v2 =	vadd.s32 $0xC0, v2;
	_ =	sdelay $0x4  }
0x148: {  	[tilespmem:v2+s7+$0x0] =	vst.idx.add.f32.msk $0xffff, v1  }
0x149: {  	v2 =	vld [tilespmem:$0x6F0];
	_ =	sdelay $0x4  }
0x14a: {  	v2 =	vadd.s32 $0xC0, v2;
	_ =	sdelay $0x4  }
0x14b: {  	[tilespmem:v2+s7+$0x0] =	vst.idx.add.f32.msk $0xffff, v1  }
0x14c: {  	v2 =	vld [tilespmem:$0x700];
	_ =	sdelay $0x4  }
0x14d: {  	v2 =	vadd.s32 $0xC0, v2;
	_ =	sdelay $0x4  }
0x14e: {  	[tilespmem:v2+s7+$0x0] =	vst.idx.add.f32.msk $0xffff, v1  }
0x14f: {  	v2 =	vld [tilespmem:$0x710];
	_ =	sdelay $0x4  }
0x150: {  	v2 =	vadd.s32 $0xC0, v2;
	_ =	sdelay $0x4  }
0x151: {  	[tilespmem:v2+s7+$0x0] =	vst.idx.add.f32.msk $0xffff, v1  }
0x152: {  	v2 =	vld [tilespmem:$0x720];
	_ =	sdelay $0x4  }
0x153: {  	v2 =	vadd.s32 $0xC0, v2;
	_ =	sdelay $0x4  }
0x154: {  	[tilespmem:v2+s7+$0x0] =	vst.idx.add.f32.msk $0xffff, v1  }
0x155: {  	v2 =	vld [tilespmem:$0x730];
	_ =	sdelay $0x4  }
0x156: {  	v2 =	vadd.s32 $0xC0, v2;
	_ =	sdelay $0x4  }
0x157: {  	[tilespmem:v2+s7+$0x0] =	vst.idx.add.f32.msk $0xffff, v1  }
0x158: {  	v2 =	vld [tilespmem:$0x740];
	_ =	sdelay $0x4  }
0x159: {  	v2 =	vadd.s32 $0xC0, v2;
	_ =	sdelay $0x4  }
0x15a: {  	[tilespmem:v2+s7+$0x0] =	vst.idx.add.f32.msk $0xffff, v1  }
0x15b: {  	v2 =	vld [tilespmem:$0x750];
	_ =	sdelay $0x4  }
0x15c: {  	v2 =	vadd.s32 $0xC0, v2;
	_ =	sdelay $0x4  }
0x15d: {  	[tilespmem:v2+s7+$0x0] =	vst.idx.add.f32.msk $0xffff, v1  }
0x15e: {  	v2 =	vld [tilespmem:$0x760];
	_ =	sdelay $0x4  }
0x15f: {  	v2 =	vadd.s32 $0xC0, v2;
	_ =	sdelay $0x4  }
0x160: {  	[tilespmem:v2+s7+$0x0] =	vst.idx.add.f32.msk $0xffff, v1  }
0x161: {  	v2 =	vld [tilespmem:$0x770];
	_ =	sdelay $0x4  }
0x162: {  	v2 =	vadd.s32 $0xC0, v2;
	_ =	sdelay $0x4  }
0x163: {  	[tilespmem:v2+s7+$0x0] =	vst.idx.add.f32.msk $0xffff, v1  }
0x164: {  	v2 =	vld [tilespmem:$0x780];
	_ =	sdelay $0x4  }
0x165: {  	v2 =	vadd.s32 $0xC0, v2;
	_ =	sdelay $0x4  }
0x166: {  	[tilespmem:v2+s7+$0x0] =	vst.idx.add.f32.msk $0xffff, v1  }
0x167: {  	v2 =	vld [tilespmem:$0x790];
	_ =	sdelay $0x4  }
0x168: {  	v2 =	vadd.s32 $0xC0, v2;
	_ =	sdelay $0x4  }
0x169: {  	[tilespmem:v2+s7+$0x0] =	vst.idx.add.f32.msk $0xffff, v1  }
0x16a: {  	v2 =	vld [tilespmem:$0x7A0];
	_ =	sdelay $0x4  }
0x16b: {  	v2 =	vadd.s32 $0xC0, v2;
	_ =	sdelay $0x4  }
0x16c: {  	[tilespmem:v2+s7+$0x0] =	vst.idx.add.f32.msk $0xffff, v1  }
0x16d: {  	v2 =	vld [tilespmem:$0x7B0];
	_ =	sdelay $0x4  }
0x16e: {  	v2 =	vadd.s32 $0xC0, v2;
	_ =	sdelay $0x4  }
0x16f: {  	[tilespmem:v2+s7+$0x0] =	vst.idx.add.f32.msk $0xffff, v1  }
0x170: {  	v2 =	vld [tilespmem:$0x7C0];
	_ =	sdelay $0x4  }
0x171: {  	v2 =	vadd.s32 $0xC0, v2;
	_ =	sdelay $0x4  }
0x172: {  	[tilespmem:v2+s7+$0x0] =	vst.idx.add.f32.msk $0xffff, v1  }
0x173: {  	v2 =	vld [tilespmem:$0x7D0];
	_ =	sdelay $0x4  }
0x174: {  	v2 =	vadd.s32 $0xC0, v2;
	_ =	sdelay $0x4  }
0x175: {  	[tilespmem:v2+s7+$0x0] =	vst.idx.add.f32.msk $0xffff, v1  }
0x176: {  	v2 =	vld [tilespmem:$0x7E0];
	_ =	sdelay $0x4  }
0x177: {  	v2 =	vadd.s32 $0xC0, v2;
	_ =	sdelay $0x4  }
0x178: {  	[tilespmem:v2+s7+$0x0] =	vst.idx.add.f32.msk $0xffff, v1  }
0x179: {  	v2 =	vld [tilespmem:$0x7F0];
	_ =	sdelay $0x4  }
0x17a: {  	v2 =	vadd.s32 $0xC0, v2;
	_ =	sdelay $0x3  }
0x17b: {  	p0 =	sne.s32 s5, $0x1  }
.Ltmp0:
0x17c: {  	[tilespmem:v2+s7+$0x0] =	vst.idx.add.f32.msk $0xffff, v1;
	(pc) =	sbr.rel @p0 .LBB2_1-.Ltmp0, $4  }
0x17d: {  	[hbm4b:s4+s2] =	stream.linear.scatter [tilespmem:s7], [sflag:$0x1], $0x100, $0x38;
	[tilespmem:$0x900] =	vst v63  }
0x17e: {  	_ =	swait.ge [sflag:s6], $0x100  }
0x17f: {  	[sflag:s6] =	ssyncset.done $0x0  }
0x180: {  	s5 =	sadd.s32 $0xFFFFFFFF, s5;
	[sflag:s6] =	ssyncadd.s32 $0xFFFFFF00  }
0x181: {  	_ =	sfence.sel $0x180000  }
0x182: {  	[bflag:$0x0] =	sbarrier.arrive $0xFFFF  }
0x183: {  	p0 =	sne.s32 s1, $0x0;
	_ =	strace $0x90000047  }
0x184: {  	s0 =	sadd.s32 @!p0 $0x100000, s0;
	[bflag:$0x2] =	sbarrier.arrive $0xFFFF  }
0x185: {  	[sflag:s0] =	ssyncadd.tile.s32 @!p0 $0x1;
	_ =	shalt  }
.Lfunc_end2:
_tile_overlayer_lowered:
.L_overlay_start_2:
0x186: {  	(tag) =	ssettag $0x2  }
0x187: {  	s0 =	rddreg [dreg:$0x0];
	s2 =	stileid.u32  }
0x188: {  	s1 =	rddreg [dreg:$0x1];
	p0 =	sne.s32 s2, $0x0  }
0x189: {  	s3 =	rddreg [dreg:$0x2];
	[bflag:$0x3] =	sbarrier.arrive $0xFFFF;
	s2 =	simm.s32 @!p0 $0x1C01  }
0x18a: {  	[timem:s3], [sflag:s2] =	dma.local @!p0 [hbm:s0], s1  }
0x18b: {  	s0 =	simm.s32 @!p0 $0x1  }
0x18c: {  	_ =	swait.ge @!p0 [sflag:s0], s1  }
0x18d: {  	s1 =	ssub.s32 @!p0 $0x0, s1;
	[sflag:s0] =	ssyncset.done @!p0 $0x0  }
0x18e: {  	[sflag:s0] =	ssyncadd.s32 @!p0 s1  }
0x18f: {  	[bflag:$0x3] =	sbarrier.arrive $0xFFFF  }
0x190: {  	_ =	shalt  }

</sc_bundles>
